<compile_context>
chip_gen: v7x
topology: tpu7x:2x2x1
jax: 0.10.2.dev20260603
libtpu: 0.0.44.dev20260713+nightly
codegen_flags: <defaults>
</compile_context>

<pallas_src>
import jax
import jax.numpy as jnp
from jax import lax
from jax.experimental import pallas as pl
from jax.experimental.pallas import tpu as pltpu
from jax.experimental.pallas import tpu_sc as plsc

B = 16384
NCAT = 26
V = 100000
D = 16
NUM = 13
H1 = 128
H2 = 64
EPS = 1e-5

NC = 2
NS = 16
NW = NC * NS
R = B * NCAT
PER_W = R // NW
K = 3328
NCH = PER_W // K
DEPTH = 2


def _sc_gather_body(table, idxs, out, idx_v, *rest):
    rows = rest[:DEPTH]
    gsem = rest[DEPTH : 2 * DEPTH]
    osem = rest[2 * DEPTH : 3 * DEPTH]
    wid = lax.axis_index("s") * NC + lax.axis_index("c")
    base = wid * PER_W

    pltpu.sync_copy(idxs.at[pl.ds(base, PER_W)], idx_v)

    eiota = lax.iota(jnp.int32, 16)

    def fixidx(j):
        phase = (j * 16) % NCAT
        offs = ((eiota + phase) % NCAT) * V
        idx_v[pl.ds(j * 16, 16)] = idx_v[pl.ds(j * 16, 16)] + offs

    plsc.parallel_loop(0, PER_W // 16, unroll=4)(fixidx)

    def fire(j, b):
        return pltpu.async_copy(
            table.at[idx_v.at[pl.ds(j * K, K)]], rows[b], gsem[b]
        )

    g = {}
    o = {}
    for j in range(min(DEPTH, NCH)):
        g[j] = fire(j, j)
    for j in range(NCH):
        b = j % DEPTH
        g[j].wait()
        o[j] = pltpu.async_copy(rows[b], out.at[pl.ds(base + j * K, K)], osem[b])
        n = j + DEPTH
        if n < NCH:
            o[j].wait()
            g[n] = fire(n, b)
    for j in range(max(NCH - DEPTH, 0), NCH):
        o[j].wait()


def _sc_gather(table, flat_idx):
    mesh = plsc.VectorSubcoreMesh(core_axis_name="c", subcore_axis_name="s")
    kern = pl.kernel(
        _sc_gather_body,
        out_type=jax.ShapeDtypeStruct((R, D), jnp.float32),
        mesh=mesh,
        scratch_types=[
            pltpu.VMEM((PER_W,), jnp.int32),
            *[pltpu.VMEM((K, D), jnp.float32) for _ in range(DEPTH)],
            *[pltpu.SemaphoreType.DMA for _ in range(2 * DEPTH)],
        ],
        compiler_params=pltpu.CompilerParams(use_tc_tiling_on_sc=False),
    )
    return kern(table, flat_idx)


VMAIN = (V // 128) * 128
VTAIL = V - VMAIN
RCH = 1408
NCHF = VMAIN // RCH
UPF = NCHF + 1
UNITS = NCAT * UPF
ULINES = RCH * D // 128
UWORDS = RCH * D
FWORDS = V * D
TWORDS = VTAIL * D


NQ = RCH // 128
MAIN = NCAT * NCHF
MPAIRS = ((MAIN + NW - 1) // NW + 1) // 2


def _sc_relayout_body(tbl, tail, out, slab_a, slab_b, stage_a, stage_b, tbuf,
                      isem_a, isem_b, osem_a, osem_b):
    wid = lax.axis_index("s") * NC + lax.axis_index("c")
    eiota = lax.iota(jnp.int32, 16)
    slabs = (slab_a, slab_b)
    stages = (stage_a, stage_b)
    isems = (isem_a, isem_b)
    osems = (osem_a, osem_b)

    def unit_ct(u):
        t = u % NCHF
        return u // NCHF, pl.multiple_of(t * RCH, 128)

    def fire_in(u, b):
        c, vb = unit_ct(u)
        pltpu.async_copy(tbl.at[c, :, pl.ds(vb, RCH)], slabs[b], isems[b])

    def drain_in(u, b):
        c, vb = unit_ct(u)
        pltpu.make_async_copy(
            tbl.at[c, :, pl.ds(vb, RCH)], slabs[b], isems[b]
        ).wait()

    def compute(b):
        def line(rr):
            vbase = jnp.broadcast_to(rr * 8, (16,)).astype(jnp.int32)
            gs = [
                plsc.load_gather(slabs[b], [eiota, vbase + k]) for k in range(8)
            ]
            for k in range(8):
                stages[b][pl.ds(rr * 128 + k * 16, 16)] = gs[k]

        plsc.parallel_loop(0, ULINES, unroll=4)(line)

    def drain_out(b):
        pltpu.make_async_copy(
            stages[b], out.at[pl.ds(0, UWORDS)], osems[b]
        ).wait()

    def fire_out(u, b):
        c, vb = unit_ct(u)
        pltpu.async_copy(
            stages[b], out.at[pl.ds(c * FWORDS + vb * D, UWORDS)], osems[b]
        )

    @pl.when(wid < MAIN)
    def _():
        fire_in(wid, 0)

    def pair(j, carry):
        u0 = wid + (2 * j) * NW
        u1 = wid + (2 * j + 1) * NW
        u2 = wid + (2 * j + 2) * NW

        @pl.when(u1 < MAIN)
        def _():
            fire_in(u1, 1)

        @pl.when(u0 < MAIN)
        def _():
            drain_in(u0, 0)

            @pl.when(j > 0)
            def _():
                drain_out(0)

            compute(0)
            fire_out(u0, 0)

        @pl.when(u2 < MAIN)
        def _():
            fire_in(u2, 0)

        @pl.when(u1 < MAIN)
        def _():
            drain_in(u1, 1)

            @pl.when(j > 0)
            def _():
                drain_out(1)

            compute(1)
            fire_out(u1, 1)

        return carry

    lax.fori_loop(0, MPAIRS, pair, 0)
    drain_out(0)
    drain_out(1)

    @pl.when(wid < NCAT)
    def _():
        pltpu.sync_copy(tail.at[pl.ds(wid * TWORDS, TWORDS)], tbuf)
        pltpu.sync_copy(tbuf, out.at[pl.ds(wid * FWORDS + VMAIN * D, TWORDS)])


def _sc_relayout(tbl_t, tail1d):
    mesh = plsc.VectorSubcoreMesh(core_axis_name="c", subcore_axis_name="s")
    kern = pl.kernel(
        _sc_relayout_body,
        out_type=jax.ShapeDtypeStruct((NCAT * V * D,), jnp.float32),
        mesh=mesh,
        scratch_types=[
            pltpu.VMEM((D, RCH), jnp.float32),
            pltpu.VMEM((D, RCH), jnp.float32),
            pltpu.VMEM((UWORDS,), jnp.float32),
            pltpu.VMEM((UWORDS,), jnp.float32),
            pltpu.VMEM((TWORDS,), jnp.float32),
            pltpu.SemaphoreType.DMA,
            pltpu.SemaphoreType.DMA,
            pltpu.SemaphoreType.DMA,
            pltpu.SemaphoreType.DMA,
        ],
        compiler_params=pltpu.CompilerParams(
            use_tc_tiling_on_sc=True, needs_layout_passes=False
        ),
    )
    return kern(tbl_t, tail1d)


BS = 2048
NB = B // BS


def _mlp_body(xcat, num, w1c, w1n, b1, g1, be1, w2, b2, g2, be2, w3, b3,
              out, h1_s, h2_s, acc1, acc2, m1, m2):
    p = pl.program_id(0)
    i = pl.program_id(1)
    off = pl.multiple_of(i * BS, BS)

    @pl.when(p == 0)
    def _phase0():
        @pl.when(i == 0)
        def _():
            acc1[...] = jnp.zeros_like(acc1)

        h = jnp.dot(xcat[...], w1c[...], preferred_element_type=jnp.float32)
        h = h + jnp.dot(num[...], w1n[...], preferred_element_type=jnp.float32)
        h = h + b1[...]
        h1_s[pl.ds(off, BS), :] = h
        acc1[0:1, :] += jnp.sum(h, axis=0, keepdims=True)
        acc1[1:2, :] += jnp.sum(h * h, axis=0, keepdims=True)

        @pl.when(i == NB - 1)
        def _():
            mean = acc1[0:1, :] * (1.0 / B)
            var = acc1[1:2, :] * (1.0 / B) - mean * mean
            m1[0:1, :] = mean
            m1[1:2, :] = lax.rsqrt(var + EPS)

    @pl.when(p == 1)
    def _phase1():
        @pl.when(i == 0)
        def _():
            acc2[...] = jnp.zeros_like(acc2)

        h = h1_s[pl.ds(off, BS), :]
        h = (h - m1[0:1, :]) * (m1[1:2, :] * g1[...]) + be1[...]
        h = jnp.maximum(h, 0.0)
        h2 = jnp.dot(h, w2[...], preferred_element_type=jnp.float32) + b2[...]
        h2_s[pl.ds(off, BS), :] = h2
        acc2[0:1, :] += jnp.sum(h2, axis=0, keepdims=True)
        acc2[1:2, :] += jnp.sum(h2 * h2, axis=0, keepdims=True)

        @pl.when(i == NB - 1)
        def _():
            mean = acc2[0:1, :] * (1.0 / B)
            var = acc2[1:2, :] * (1.0 / B) - mean * mean
            m2[0:1, :] = mean
            m2[1:2, :] = lax.rsqrt(var + EPS)

    @pl.when(p == 2)
    def _phase2():
        h2 = h2_s[pl.ds(off, BS), :]
        h2 = (h2 - m2[0:1, :]) * (m2[1:2, :] * g2[...]) + be2[...]
        h2 = jnp.maximum(h2, 0.0)
        o = jnp.sum(h2 * w3[...], axis=1, keepdims=True) + b3[...]
        out[...] = o


def _mlp(xcat_2d, num, w1c_t, w1n_t, b1, g1, be1, w2_t, b2, g2, be2, w3, b3):
    grid = (3, NB)

    def xmap(p, i):
        return (jnp.where(p == 0, i, 0), 0)

    const = lambda p, i: (0, 0)
    return pl.pallas_call(
        _mlp_body,
        grid=grid,
        in_specs=[
            pl.BlockSpec((BS, NCAT * D), xmap),
            pl.BlockSpec((BS, NUM), xmap),
            pl.BlockSpec((NCAT * D, H1), const),
            pl.BlockSpec((NUM, H1), const),
            pl.BlockSpec((1, H1), const),
            pl.BlockSpec((1, H1), const),
            pl.BlockSpec((1, H1), const),
            pl.BlockSpec((H1, H2), const),
            pl.BlockSpec((1, H2), const),
            pl.BlockSpec((1, H2), const),
            pl.BlockSpec((1, H2), const),
            pl.BlockSpec((1, H2), const),
            pl.BlockSpec((1, 1), const),
        ],
        out_specs=pl.BlockSpec((BS, 1), lambda p, i: (i, 0)),
        out_shape=jax.ShapeDtypeStruct((B, 1), jnp.float32),
        scratch_shapes=[
            pltpu.VMEM((B, H1), jnp.float32),
            pltpu.VMEM((B, H2), jnp.float32),
            pltpu.VMEM((2, H1), jnp.float32),
            pltpu.VMEM((2, H2), jnp.float32),
            pltpu.VMEM((2, H1), jnp.float32),
            pltpu.VMEM((2, H2), jnp.float32),
        ],
        compiler_params=pltpu.CompilerParams(
            dimension_semantics=("arbitrary", "arbitrary"),
        ),
    )(xcat_2d, num, w1c_t, w1n_t, b1, g1, be1, w2_t, b2, g2, be2, w3, b3)


def kernel(cat, num, emb_tables, W1, b1, g1, beta1, W2, b2, g2, beta2, W3, b3):
    flat_idx = cat.reshape(R)
    tbl_t = jnp.transpose(emb_tables, (0, 2, 1))
    tail1d = emb_tables[:, VMAIN:, :].reshape(NCAT * TWORDS)
    table = _sc_relayout(tbl_t, tail1d).reshape(NCAT * V, D)

    gathered = _sc_gather(table, flat_idx)
    xcat = gathered.reshape(B, NCAT * D)

    w1t = W1.T
    out = _mlp(
        xcat, num,
        w1t[: NCAT * D, :], w1t[NCAT * D :, :],
        b1.reshape(1, H1), g1.reshape(1, H1), beta1.reshape(1, H1),
        W2.T, b2.reshape(1, H2), g2.reshape(1, H2), beta2.reshape(1, H2),
        W3,
        b3.reshape(1, 1),
    )
    return out

# --- scband reference (transcript-rebuilt; emitter-appended) ---
"""Pipeline reference for scband-mlpwith-embeddings-67130338836644 (READ-ONLY COPY).

The authoritative reference and input builder live on the scoring server;
editing this copy changes nothing except your own understanding.
"""

import jax, jax.numpy as jnp
import numpy as np

B = 16384
NCAT = 26
V = 100000
D = 16
NUM = 13
IN_DIM = NCAT * D + NUM  # 429
H1 = 128
H2 = 64
OUT = 1
EPS = 1e-5


def setup_inputs(seed: int = 0) -> dict:
    key = jax.random.key(seed)
    ks = jax.random.split(key, 16)
    cat = jax.random.randint(ks[0], (B, NCAT), 0, V, dtype=jnp.int32)
    num = jax.random.normal(ks[1], (B, NUM), dtype=jnp.float32)
    emb_tables = jax.random.normal(ks[2], (NCAT, V, D), dtype=jnp.float32) * 0.05
    W1 = jax.random.normal(ks[3], (H1, IN_DIM), dtype=jnp.float32) * (1.0 / np.sqrt(IN_DIM))
    b1 = jnp.zeros((H1,), dtype=jnp.float32)
    g1 = jnp.ones((H1,), dtype=jnp.float32)
    beta1 = jnp.zeros((H1,), dtype=jnp.float32)
    W2 = jax.random.normal(ks[4], (H2, H1), dtype=jnp.float32) * (1.0 / np.sqrt(H1))
    b2 = jnp.zeros((H2,), dtype=jnp.float32)
    g2 = jnp.ones((H2,), dtype=jnp.float32)
    beta2 = jnp.zeros((H2,), dtype=jnp.float32)
    W3 = jax.random.normal(ks[5], (OUT, H2), dtype=jnp.float32) * (1.0 / np.sqrt(H2))
    b3 = jnp.zeros((OUT,), dtype=jnp.float32)
    return {"cat": cat, "num": num, "emb_tables": emb_tables,
            "W1": W1, "b1": b1, "g1": g1, "beta1": beta1,
            "W2": W2, "b2": b2, "g2": g2, "beta2": beta2,
            "W3": W3, "b3": b3}


def _bn(h, g, beta):
    # BatchNorm1d in training mode: batch statistics (biased variance)
    mean = jnp.mean(h, axis=0)
    var = jnp.var(h, axis=0)
    return (h - mean) / jnp.sqrt(var + EPS) * g + beta


def reference(cat, num, emb_tables, W1, b1, g1, beta1, W2, b2, g2, beta2, W3, b3):
    # per-field embedding lookup: emb_tables[i][cat[:, i]] for each field i
    field_idx = jnp.arange(NCAT)[None, :]  # [1, NCAT]
    emb = emb_tables[field_idx, cat]       # [B, NCAT, D]
    cat_concat = emb.reshape(cat.shape[0], NCAT * D)
    x = jnp.concatenate([cat_concat, num], axis=1)  # [B, 429]
    h = x @ W1.T + b1
    h = _bn(h, g1, beta1)
    h = jax.nn.relu(h)
    # dropout is identity in deterministic/eval reference
    h = h @ W2.T + b2
    h = _bn(h, g2, beta2)
    h = jax.nn.relu(h)
    out = h @ W3.T + b3
    return out

if __name__ == "__main__":
    import jax
    _d = setup_inputs()
    print(jax.jit(kernel)(*tuple(_d.values())))

</pallas_src>

<mosaic_0001>
#map = affine_map<(d0, d1) -> (0, 0)>
#map1 = affine_map<(d0, d1) -> (0)>
module attributes {stable_mosaic.version = 14 : i64} {
  func.func @_sc_gather_body(%arg0: i32, %arg1: i32, %arg2: memref<2600000x16xf32, #tpu.memory_space<hbm>>, %arg3: memref<425984xi32, #tpu.memory_space<hbm>>, %arg4: memref<425984x16xf32, #tpu.memory_space<hbm>>, %arg5: memref<13312xi32, #tpu.memory_space<vmem>>, %arg6: memref<3328x16xf32, #tpu.memory_space<vmem>>, %arg7: memref<3328x16xf32, #tpu.memory_space<vmem>>, %arg8: memref<!tpu.dma_semaphore, #tpu.memory_space<semaphore_mem>>, %arg9: memref<!tpu.dma_semaphore, #tpu.memory_space<semaphore_mem>>, %arg10: memref<!tpu.dma_semaphore, #tpu.memory_space<semaphore_mem>>, %arg11: memref<!tpu.dma_semaphore, #tpu.memory_space<semaphore_mem>>) attributes {dimension_semantics = [#tpu.dimension_semantics<core_parallel>, #tpu.dimension_semantics<subcore_parallel>], iteration_bounds = array<i64: 2, 16>, scalar_prefetch = 0 : i64, scratch_operands = 7 : i64, tpu.core_type = #tpu.core_type<sc_vector_subcore>, window_params = [{transform_indices = #map}, {transform_indices = #map1}, {transform_indices = #map}]} {
    %mul3A = arith.constant 2 : i32
    %mul3A_0 = arith.muli %arg1, %mul3A : i32
    %add3A = arith.addi %mul3A_0, %arg0 : i32
    %mul3A_1 = arith.constant 13312 : i32
    %mul3A_2 = arith.muli %add3A, %mul3A_1 : i32
    "tpu.region"() ({
      %run_scoped3A = tpu.sem_alloc : memref<!tpu.dma_semaphore, #tpu.memory_space<semaphore_mem>>
      %dma_start3A_83 = tpu.memref_slice %arg3[%mul3A_2] : memref<425984xi32, #tpu.memory_space<hbm>> -> memref<13312xi32, #tpu.memory_space<hbm>>
      %dma_start3A_84 = tpu.memref_slice %arg3[%mul3A_2] : memref<425984xi32, #tpu.memory_space<hbm>> -> memref<13312xi32, #tpu.memory_space<hbm>>
      tpu.enqueue_dma source(%dma_start3A_84 : memref<13312xi32, #tpu.memory_space<hbm>>) target(%arg5 : memref<13312xi32, #tpu.memory_space<vmem>>) target_semaphore(%run_scoped3A : memref<!tpu.dma_semaphore, #tpu.memory_space<semaphore_mem>>)
      %dma_wait3A_85 = tpu.memref_slice %arg3[%mul3A_2] : memref<425984xi32, #tpu.memory_space<hbm>> -> memref<13312xi32, #tpu.memory_space<hbm>>
      %dma_wait3A_86 = tpu.memref_slice %arg3[%mul3A_2] : memref<425984xi32, #tpu.memory_space<hbm>> -> memref<13312xi32, #tpu.memory_space<hbm>>
      tpu.wait_dma2 semaphore(%run_scoped3A : memref<!tpu.dma_semaphore, #tpu.memory_space<semaphore_mem>>) src(%dma_wait3A_86 : memref<13312xi32, #tpu.memory_space<hbm>>) dst(%arg5 : memref<13312xi32, #tpu.memory_space<vmem>>)
      tpu.yield
    }) : () -> ()
    %iota3A = tpu.iota {dimensions = array<i32: 0>} : vector<16xi32>
    %parallel_loop3A = arith.constant 0 : i32
    %parallel_loop3A_3 = arith.constant 832 : i32
    %parallel_loop3A_4 = arith.constant 1 : i32
    scf.for %parallel_loop3A_83 = %parallel_loop3A to %parallel_loop3A_3 step %parallel_loop3A_4  : i32 {
      %parallel_loop3A_84 = arith.constant 16 : i32
      %parallel_loop3A_85 = arith.muli %parallel_loop3A_83, %parallel_loop3A_84 : i32
      %parallel_loop3A_86 = arith.constant 26 : i32
      %parallel_loop3A_87 = arith.constant 0 : i32
      %parallel_loop3A_88 = arith.cmpi eq, %parallel_loop3A_86, %parallel_loop3A_87 : i32
      %parallel_loop3A_89 = arith.constant 1 : i32
      %parallel_loop3A_90 = arith.select %parallel_loop3A_88, %parallel_loop3A_89, %parallel_loop3A_86 : i32
      %parallel_loop3A_91 = arith.remsi %parallel_loop3A_85, %parallel_loop3A_90 : i32
      %parallel_loop3A_92 = arith.constant 0 : i32
      %parallel_loop3A_93 = arith.cmpi ne, %parallel_loop3A_91, %parallel_loop3A_92 : i32
      %parallel_loop3A_94 = arith.constant 0 : i32
      %parallel_loop3A_95 = arith.cmpi slt, %parallel_loop3A_91, %parallel_loop3A_94 : i32
      %parallel_loop3A_96 = arith.constant 0 : i32
      %parallel_loop3A_97 = arith.cmpi slt, %parallel_loop3A_90, %parallel_loop3A_96 : i32
      %parallel_loop3A_98 = arith.xori %parallel_loop3A_95, %parallel_loop3A_97 : i1
      %parallel_loop3A_99 = arith.andi %parallel_loop3A_98, %parallel_loop3A_93 : i1
      %parallel_loop3A_100 = arith.addi %parallel_loop3A_91, %parallel_loop3A_90 : i32
      %parallel_loop3A_101 = arith.select %parallel_loop3A_99, %parallel_loop3A_100, %parallel_loop3A_91 : i32
      %parallel_loop3A_102 = vector.broadcast %parallel_loop3A_101 : i32 to vector<16xi32>
      %parallel_loop3A_103 = arith.addi %iota3A, %parallel_loop3A_102 : vector<16xi32>
      %parallel_loop3A_104 = arith.constant 26 : i32
      %parallel_loop3A_105 = arith.constant 0 : i32
      %parallel_loop3A_106 = arith.cmpi eq, %parallel_loop3A_104, %parallel_loop3A_105 : i32
      %parallel_loop3A_107 = arith.constant 1 : i32
      %parallel_loop3A_108 = arith.select %parallel_loop3A_106, %parallel_loop3A_107, %parallel_loop3A_104 : i32
      %parallel_loop3A_109 = vector.broadcast %parallel_loop3A_108 : i32 to vector<16xi32>
      %parallel_loop3A_110 = arith.remsi %parallel_loop3A_103, %parallel_loop3A_109 : vector<16xi32>
      %parallel_loop3A_111 = arith.constant 0 : i32
      %parallel_loop3A_112 = vector.broadcast %parallel_loop3A_111 : i32 to vector<16xi32>
      %parallel_loop3A_113 = arith.cmpi ne, %parallel_loop3A_110, %parallel_loop3A_112 : vector<16xi32>
      %parallel_loop3A_114 = arith.constant 0 : i32
      %parallel_loop3A_115 = vector.broadcast %parallel_loop3A_114 : i32 to vector<16xi32>
      %parallel_loop3A_116 = arith.cmpi slt, %parallel_loop3A_110, %parallel_loop3A_115 : vector<16xi32>
      %parallel_loop3A_117 = arith.constant 0 : i32
      %parallel_loop3A_118 = arith.cmpi slt, %parallel_loop3A_108, %parallel_loop3A_117 : i32
      %parallel_loop3A_119 = vector.broadcast %parallel_loop3A_118 : i1 to vector<16xi1>
      %parallel_loop3A_120 = vector.broadcast %parallel_loop3A_119 : vector<16xi1> to vector<16xi1>
      %parallel_loop3A_121 = arith.xori %parallel_loop3A_116, %parallel_loop3A_120 : vector<16xi1>
      %parallel_loop3A_122 = arith.andi %parallel_loop3A_121, %parallel_loop3A_113 : vector<16xi1>
      %parallel_loop3A_123 = vector.broadcast %parallel_loop3A_108 : i32 to vector<16xi32>
      %parallel_loop3A_124 = arith.addi %parallel_loop3A_110, %parallel_loop3A_123 : vector<16xi32>
      %parallel_loop3A_125 = arith.select %parallel_loop3A_122, %parallel_loop3A_124, %parallel_loop3A_110 : vector<16xi1>, vector<16xi32>
      %parallel_loop3A_126 = arith.constant 100000 : i32
      %parallel_loop3A_127 = vector.broadcast %parallel_loop3A_126 : i32 to vector<16xi32>
      %parallel_loop3A_128 = arith.muli %parallel_loop3A_125, %parallel_loop3A_127 : vector<16xi32>
      %parallel_loop3A_129 = arith.constant 16 : i32
      %parallel_loop3A_130 = arith.muli %parallel_loop3A_83, %parallel_loop3A_129 : i32
      %parallel_loop3A_131 = arith.index_cast %parallel_loop3A_130 : i32 to index
      %parallel_loop3A_132 = tpu.vector_load %arg5[%parallel_loop3A_131] {strides = array<i32>} : memref<13312xi32, #tpu.memory_space<vmem>>, vector<16xi32>,
      %parallel_loop3A_133 = vector.shape_cast %parallel_loop3A_132 : vector<16xi32> to vector<16xi32>
      %parallel_loop3A_134 = arith.addi %parallel_loop3A_133, %parallel_loop3A_128 : vector<16xi32>
      %parallel_loop3A_135 = arith.constant 16 : i32
      %parallel_loop3A_136 = arith.muli %parallel_loop3A_83, %parallel_loop3A_135 : i32
      %parallel_loop3A_137 = arith.index_cast %parallel_loop3A_136 : i32 to index
      %parallel_loop3A_138 = tpu.vector_load %arg5[%parallel_loop3A_137] {strides = array<i32>} : memref<13312xi32, #tpu.memory_space<vmem>>, vector<16xi32>,
      %parallel_loop3A_139 = vector.shape_cast %parallel_loop3A_138 : vector<16xi32> to vector<16xi32>
      %parallel_loop3A_140 = vector.shape_cast %parallel_loop3A_134 : vector<16xi32> to vector<16xi32>
      tpu.vector_store %arg5[%parallel_loop3A_137], %parallel_loop3A_140 {strides = array<i32>} : memref<13312xi32, #tpu.memory_space<vmem>>, vector<16xi32>,
    } {sc.loop_unroll_factor = 4 : i64, sc.parallel_access}
    %dma_start3A = arith.constant 0 : i32
    %dma_start3A_5 = tpu.memref_slice %arg5[%dma_start3A] : memref<13312xi32, #tpu.memory_space<vmem>> -> memref<3328xi32, #tpu.memory_space<vmem>>
    %dma_start3A_6 = arith.constant 0 : i32
    %dma_start3A_7 = arith.constant 0 : i32
    %dma_start3A_8 = tpu.memref_slice %arg2[%dma_start3A_6, %dma_start3A_7] : memref<2600000x16xf32, #tpu.memory_space<hbm>> -> memref<2600000x16xf32, #tpu.memory_space<hbm>>
    tpu.enqueue_indirect_dma source(%dma_start3A_8 : memref<2600000x16xf32, #tpu.memory_space<hbm>>) target(%arg6 : memref<3328x16xf32, #tpu.memory_space<vmem>>) offsets(%dma_start3A_5 : memref<3328xi32, #tpu.memory_space<vmem>>) semaphore(%arg8 : memref<!tpu.dma_semaphore, #tpu.memory_space<semaphore_mem>>)
    %dma_start3A_9 = arith.constant 3328 : i32
    %dma_start3A_10 = tpu.memref_slice %arg5[%dma_start3A_9] : memref<13312xi32, #tpu.memory_space<vmem>> -> memref<3328xi32, #tpu.memory_space<vmem>>
    %dma_start3A_11 = arith.constant 0 : i32
    %dma_start3A_12 = arith.constant 0 : i32
    %dma_start3A_13 = tpu.memref_slice %arg2[%dma_start3A_11, %dma_start3A_12] : memref<2600000x16xf32, #tpu.memory_space<hbm>> -> memref<2600000x16xf32, #tpu.memory_space<hbm>>
    tpu.enqueue_indirect_dma source(%dma_start3A_13 : memref<2600000x16xf32, #tpu.memory_space<hbm>>) target(%arg7 : memref<3328x16xf32, #tpu.memory_space<vmem>>) offsets(%dma_start3A_10 : memref<3328xi32, #tpu.memory_space<vmem>>) semaphore(%arg9 : memref<!tpu.dma_semaphore, #tpu.memory_space<semaphore_mem>>)
    %dma_wait3A = arith.constant 0 : i32
    %dma_wait3A_14 = tpu.memref_slice %arg5[%dma_wait3A] : memref<13312xi32, #tpu.memory_space<vmem>> -> memref<3328xi32, #tpu.memory_space<vmem>>
    %dma_wait3A_15 = arith.constant 0 : i32
    %dma_wait3A_16 = arith.constant 0 : i32
    %dma_wait3A_17 = tpu.memref_slice %arg2[%dma_wait3A_15, %dma_wait3A_16] : memref<2600000x16xf32, #tpu.memory_space<hbm>> -> memref<2600000x16xf32, #tpu.memory_space<hbm>>
    tpu.wait_indirect_dma semaphore(%arg8 : memref<!tpu.dma_semaphore, #tpu.memory_space<semaphore_mem>>) src(%dma_wait3A_17 : memref<2600000x16xf32, #tpu.memory_space<hbm>>) dst(%arg6 : memref<3328x16xf32, #tpu.memory_space<vmem>>)
    %add3A_18 = arith.constant 0 : i32
    %add3A_19 = arith.addi %mul3A_2, %add3A_18 : i32
    %dma_start3A_20 = arith.constant 0 : i32
    %dma_start3A_21 = tpu.memref_slice %arg4[%add3A_19, %dma_start3A_20] : memref<425984x16xf32, #tpu.memory_space<hbm>> -> memref<3328x16xf32, #tpu.memory_space<hbm>>
    %dma_start3A_22 = arith.constant 0 : i32
    %dma_start3A_23 = tpu.memref_slice %arg4[%add3A_19, %dma_start3A_22] : memref<425984x16xf32, #tpu.memory_space<hbm>> -> memref<3328x16xf32, #tpu.memory_space<hbm>>
    tpu.enqueue_dma source(%arg6 : memref<3328x16xf32, #tpu.memory_space<vmem>>) target(%dma_start3A_23 : memref<3328x16xf32, #tpu.memory_space<hbm>>) target_semaphore(%arg10 : memref<!tpu.dma_semaphore, #tpu.memory_space<semaphore_mem>>)
    %dma_wait3A_24 = arith.constant 0 : i32
    %dma_wait3A_25 = tpu.memref_slice %arg4[%add3A_19, %dma_wait3A_24] : memref<425984x16xf32, #tpu.memory_space<hbm>> -> memref<3328x16xf32, #tpu.memory_space<hbm>>
    %dma_wait3A_26 = arith.constant 0 : i32
    %dma_wait3A_27 = tpu.memref_slice %arg4[%add3A_19, %dma_wait3A_26] : memref<425984x16xf32, #tpu.memory_space<hbm>> -> memref<3328x16xf32, #tpu.memory_space<hbm>>
    tpu.wait_dma2 semaphore(%arg10 : memref<!tpu.dma_semaphore, #tpu.memory_space<semaphore_mem>>) src(%arg6 : memref<3328x16xf32, #tpu.memory_space<vmem>>) dst(%dma_wait3A_27 : memref<3328x16xf32, #tpu.memory_space<hbm>>)
    %dma_start3A_28 = arith.constant 6656 : i32
    %dma_start3A_29 = tpu.memref_slice %arg5[%dma_start3A_28] : memref<13312xi32, #tpu.memory_space<vmem>> -> memref<3328xi32, #tpu.memory_space<vmem>>
    %dma_start3A_30 = arith.constant 0 : i32
    %dma_start3A_31 = arith.constant 0 : i32
    %dma_start3A_32 = tpu.memref_slice %arg2[%dma_start3A_30, %dma_start3A_31] : memref<2600000x16xf32, #tpu.memory_space<hbm>> -> memref<2600000x16xf32, #tpu.memory_space<hbm>>
    tpu.enqueue_indirect_dma source(%dma_start3A_32 : memref<2600000x16xf32, #tpu.memory_space<hbm>>) target(%arg6 : memref<3328x16xf32, #tpu.memory_space<vmem>>) offsets(%dma_start3A_29 : memref<3328xi32, #tpu.memory_space<vmem>>) semaphore(%arg8 : memref<!tpu.dma_semaphore, #tpu.memory_space<semaphore_mem>>)
    %dma_wait3A_33 = arith.constant 3328 : i32
    %dma_wait3A_34 = tpu.memref_slice %arg5[%dma_wait3A_33] : memref<13312xi32, #tpu.memory_space<vmem>> -> memref<3328xi32, #tpu.memory_space<vmem>>
    %dma_wait3A_35 = arith.constant 0 : i32
    %dma_wait3A_36 = arith.constant 0 : i32
    %dma_wait3A_37 = tpu.memref_slice %arg2[%dma_wait3A_35, %dma_wait3A_36] : memref<2600000x16xf32, #tpu.memory_space<hbm>> -> memref<2600000x16xf32, #tpu.memory_space<hbm>>
    tpu.wait_indirect_dma semaphore(%arg9 : memref<!tpu.dma_semaphore, #tpu.memory_space<semaphore_mem>>) src(%dma_wait3A_37 : memref<2600000x16xf32, #tpu.memory_space<hbm>>) dst(%arg7 : memref<3328x16xf32, #tpu.memory_space<vmem>>)
    %add3A_38 = arith.constant 3328 : i32
    %add3A_39 = arith.addi %mul3A_2, %add3A_38 : i32
    %dma_start3A_40 = arith.constant 0 : i32
    %dma_start3A_41 = tpu.memref_slice %arg4[%add3A_39, %dma_start3A_40] : memref<425984x16xf32, #tpu.memory_space<hbm>> -> memref<3328x16xf32, #tpu.memory_space<hbm>>
    %dma_start3A_42 = arith.constant 0 : i32
    %dma_start3A_43 = tpu.memref_slice %arg4[%add3A_39, %dma_start3A_42] : memref<425984x16xf32, #tpu.memory_space<hbm>> -> memref<3328x16xf32, #tpu.memory_space<hbm>>
    tpu.enqueue_dma source(%arg7 : memref<3328x16xf32, #tpu.memory_space<vmem>>) target(%dma_start3A_43 : memref<3328x16xf32, #tpu.memory_space<hbm>>) target_semaphore(%arg11 : memref<!tpu.dma_semaphore, #tpu.memory_space<semaphore_mem>>)
    %dma_wait3A_44 = arith.constant 0 : i32
    %dma_wait3A_45 = tpu.memref_slice %arg4[%add3A_39, %dma_wait3A_44] : memref<425984x16xf32, #tpu.memory_space<hbm>> -> memref<3328x16xf32, #tpu.memory_space<hbm>>
    %dma_wait3A_46 = arith.constant 0 : i32
    %dma_wait3A_47 = tpu.memref_slice %arg4[%add3A_39, %dma_wait3A_46] : memref<425984x16xf32, #tpu.memory_space<hbm>> -> memref<3328x16xf32, #tpu.memory_space<hbm>>
    tpu.wait_dma2 semaphore(%arg11 : memref<!tpu.dma_semaphore, #tpu.memory_space<semaphore_mem>>) src(%arg7 : memref<3328x16xf32, #tpu.memory_space<vmem>>) dst(%dma_wait3A_47 : memref<3328x16xf32, #tpu.memory_space<hbm>>)
    %dma_start3A_48 = arith.constant 9984 : i32
    %dma_start3A_49 = tpu.memref_slice %arg5[%dma_start3A_48] : memref<13312xi32, #tpu.memory_space<vmem>> -> memref<3328xi32, #tpu.memory_space<vmem>>
    %dma_start3A_50 = arith.constant 0 : i32
    %dma_start3A_51 = arith.constant 0 : i32
    %dma_start3A_52 = tpu.memref_slice %arg2[%dma_start3A_50, %dma_start3A_51] : memref<2600000x16xf32, #tpu.memory_space<hbm>> -> memref<2600000x16xf32, #tpu.memory_space<hbm>>
    tpu.enqueue_indirect_dma source(%dma_start3A_52 : memref<2600000x16xf32, #tpu.memory_space<hbm>>) target(%arg7 : memref<3328x16xf32, #tpu.memory_space<vmem>>) offsets(%dma_start3A_49 : memref<3328xi32, #tpu.memory_space<vmem>>) semaphore(%arg9 : memref<!tpu.dma_semaphore, #tpu.memory_space<semaphore_mem>>)
    %dma_wait3A_53 = arith.constant 6656 : i32
    %dma_wait3A_54 = tpu.memref_slice %arg5[%dma_wait3A_53] : memref<13312xi32, #tpu.memory_space<vmem>> -> memref<3328xi32, #tpu.memory_space<vmem>>
    %dma_wait3A_55 = arith.constant 0 : i32
    %dma_wait3A_56 = arith.constant 0 : i32
    %dma_wait3A_57 = tpu.memref_slice %arg2[%dma_wait3A_55, %dma_wait3A_56] : memref<2600000x16xf32, #tpu.memory_space<hbm>> -> memref<2600000x16xf32, #tpu.memory_space<hbm>>
    tpu.wait_indirect_dma semaphore(%arg8 : memref<!tpu.dma_semaphore, #tpu.memory_space<semaphore_mem>>) src(%dma_wait3A_57 : memref<2600000x16xf32, #tpu.memory_space<hbm>>) dst(%arg6 : memref<3328x16xf32, #tpu.memory_space<vmem>>)
    %add3A_58 = arith.constant 6656 : i32
    %add3A_59 = arith.addi %mul3A_2, %add3A_58 : i32
    %dma_start3A_60 = arith.constant 0 : i32
    %dma_start3A_61 = tpu.memref_slice %arg4[%add3A_59, %dma_start3A_60] : memref<425984x16xf32, #tpu.memory_space<hbm>> -> memref<3328x16xf32, #tpu.memory_space<hbm>>
    %dma_start3A_62 = arith.constant 0 : i32
    %dma_start3A_63 = tpu.memref_slice %arg4[%add3A_59, %dma_start3A_62] : memref<425984x16xf32, #tpu.memory_space<hbm>> -> memref<3328x16xf32, #tpu.memory_space<hbm>>
    tpu.enqueue_dma source(%arg6 : memref<3328x16xf32, #tpu.memory_space<vmem>>) target(%dma_start3A_63 : memref<3328x16xf32, #tpu.memory_space<hbm>>) target_semaphore(%arg10 : memref<!tpu.dma_semaphore, #tpu.memory_space<semaphore_mem>>)
    %dma_wait3A_64 = arith.constant 9984 : i32
    %dma_wait3A_65 = tpu.memref_slice %arg5[%dma_wait3A_64] : memref<13312xi32, #tpu.memory_space<vmem>> -> memref<3328xi32, #tpu.memory_space<vmem>>
    %dma_wait3A_66 = arith.constant 0 : i32
    %dma_wait3A_67 = arith.constant 0 : i32
    %dma_wait3A_68 = tpu.memref_slice %arg2[%dma_wait3A_66, %dma_wait3A_67] : memref<2600000x16xf32, #tpu.memory_space<hbm>> -> memref<2600000x16xf32, #tpu.memory_space<hbm>>
    tpu.wait_indirect_dma semaphore(%arg9 : memref<!tpu.dma_semaphore, #tpu.memory_space<semaphore_mem>>) src(%dma_wait3A_68 : memref<2600000x16xf32, #tpu.memory_space<hbm>>) dst(%arg7 : memref<3328x16xf32, #tpu.memory_space<vmem>>)
    %add3A_69 = arith.constant 9984 : i32
    %add3A_70 = arith.addi %mul3A_2, %add3A_69 : i32
    %dma_start3A_71 = arith.constant 0 : i32
    %dma_start3A_72 = tpu.memref_slice %arg4[%add3A_70, %dma_start3A_71] : memref<425984x16xf32, #tpu.memory_space<hbm>> -> memref<3328x16xf32, #tpu.memory_space<hbm>>
    %dma_start3A_73 = arith.constant 0 : i32
    %dma_start3A_74 = tpu.memref_slice %arg4[%add3A_70, %dma_start3A_73] : memref<425984x16xf32, #tpu.memory_space<hbm>> -> memref<3328x16xf32, #tpu.memory_space<hbm>>
    tpu.enqueue_dma source(%arg7 : memref<3328x16xf32, #tpu.memory_space<vmem>>) target(%dma_start3A_74 : memref<3328x16xf32, #tpu.memory_space<hbm>>) target_semaphore(%arg11 : memref<!tpu.dma_semaphore, #tpu.memory_space<semaphore_mem>>)
    %dma_wait3A_75 = arith.constant 0 : i32
    %dma_wait3A_76 = tpu.memref_slice %arg4[%add3A_59, %dma_wait3A_75] : memref<425984x16xf32, #tpu.memory_space<hbm>> -> memref<3328x16xf32, #tpu.memory_space<hbm>>
    %dma_wait3A_77 = arith.constant 0 : i32
    %dma_wait3A_78 = tpu.memref_slice %arg4[%add3A_59, %dma_wait3A_77] : memref<425984x16xf32, #tpu.memory_space<hbm>> -> memref<3328x16xf32, #tpu.memory_space<hbm>>
    tpu.wait_dma2 semaphore(%arg10 : memref<!tpu.dma_semaphore, #tpu.memory_space<semaphore_mem>>) src(%arg6 : memref<3328x16xf32, #tpu.memory_space<vmem>>) dst(%dma_wait3A_78 : memref<3328x16xf32, #tpu.memory_space<hbm>>)
    %dma_wait3A_79 = arith.constant 0 : i32
    %dma_wait3A_80 = tpu.memref_slice %arg4[%add3A_70, %dma_wait3A_79] : memref<425984x16xf32, #tpu.memory_space<hbm>> -> memref<3328x16xf32, #tpu.memory_space<hbm>>
    %dma_wait3A_81 = arith.constant 0 : i32
    %dma_wait3A_82 = tpu.memref_slice %arg4[%add3A_70, %dma_wait3A_81] : memref<425984x16xf32, #tpu.memory_space<hbm>> -> memref<3328x16xf32, #tpu.memory_space<hbm>>
    tpu.wait_dma2 semaphore(%arg11 : memref<!tpu.dma_semaphore, #tpu.memory_space<semaphore_mem>>) src(%arg7 : memref<3328x16xf32, #tpu.memory_space<vmem>>) dst(%dma_wait3A_82 : memref<3328x16xf32, #tpu.memory_space<hbm>>)
    return
  }
}

#map = affine_map<(d0, d1) -> (0, 0, 0)>
#map1 = affine_map<(d0, d1) -> (0)>
module attributes {stable_mosaic.version = 14 : i64} {
  func.func @_sc_relayout_body(%arg0: i32, %arg1: i32, %arg2: memref<26x16x100000xf32, #tpu.memory_space<hbm>>, %arg3: memref<13312xf32, #tpu.memory_space<hbm>>, %arg4: memref<41600000xf32, #tpu.memory_space<hbm>>, %arg5: memref<16x1408xf32, #tpu.memory_space<vmem>>, %arg6: memref<16x1408xf32, #tpu.memory_space<vmem>>, %arg7: memref<22528xf32, #tpu.memory_space<vmem>>, %arg8: memref<22528xf32, #tpu.memory_space<vmem>>, %arg9: memref<512xf32, #tpu.memory_space<vmem>>, %arg10: memref<!tpu.dma_semaphore, #tpu.memory_space<semaphore_mem>>, %arg11: memref<!tpu.dma_semaphore, #tpu.memory_space<semaphore_mem>>, %arg12: memref<!tpu.dma_semaphore, #tpu.memory_space<semaphore_mem>>, %arg13: memref<!tpu.dma_semaphore, #tpu.memory_space<semaphore_mem>>) attributes {dimension_semantics = [#tpu.dimension_semantics<core_parallel>, #tpu.dimension_semantics<subcore_parallel>], iteration_bounds = array<i64: 2, 16>, scalar_prefetch = 0 : i64, scratch_operands = 9 : i64, tpu.core_type = #tpu.core_type<sc_vector_subcore>, window_params = [{transform_indices = #map}, {transform_indices = #map1}, {transform_indices = #map1}]} {
    %mul3A = arith.constant 2 : i32
    %mul3A_0 = arith.muli %arg1, %mul3A : i32
    %add3A = arith.addi %mul3A_0, %arg0 : i32
    %iota3A = tpu.iota {dimensions = array<i32: 0>} : vector<16xi32>
    %lt3A = arith.constant 1846 : i32
    %lt3A_1 = arith.cmpi slt, %add3A, %lt3A : i32
    %convert_element_type3A = arith.extui %lt3A_1 : i1 to i32
    %cond3A = arith.constant 0 : i32
    %cond3A_2 = arith.cmpi ne, %convert_element_type3A, %cond3A : i32
    scf.if %cond3A_2 {
      %jit3A = arith.constant 71 : i32
      %eq3A = arith.constant 0 : i32
      %eq3A_20 = arith.cmpi eq, %jit3A, %eq3A : i32
      %jit3A_21 = arith.constant 1 : i32
      %select_n3A = arith.select %eq3A_20, %jit3A_21, %jit3A : i32
      %rem3A = arith.remsi %add3A, %select_n3A : i32
      %ne3A = arith.constant 0 : i32
      %ne3A_22 = arith.cmpi ne, %rem3A, %ne3A : i32
      %lt3A_23 = arith.constant 0 : i32
      %lt3A_24 = arith.cmpi slt, %rem3A, %lt3A_23 : i32
      %lt3A_25 = arith.constant 0 : i32
      %lt3A_26 = arith.cmpi slt, %select_n3A, %lt3A_25 : i32
      %ne3A_27 = arith.xori %lt3A_24, %lt3A_26 : i1
      %and3A = arith.andi %ne3A_27, %ne3A_22 : i1
      %add3A_28 = arith.addi %rem3A, %select_n3A : i32
      %select_n3A_29 = arith.select %and3A, %add3A_28, %rem3A : i32
      %jit3A_30 = arith.constant 71 : i32
      %div3A = arith.divsi %add3A, %jit3A_30 : i32
      %sign3A = arith.constant 0 : i32
      %sign3A_31 = arith.cmpi sgt, %add3A, %sign3A : i32
      %sign3A_32 = arith.extui %sign3A_31 : i1 to i32
      %sign3A_33 = arith.constant 0 : i32
      %sign3A_34 = arith.cmpi slt, %add3A, %sign3A_33 : i32
      %sign3A_35 = arith.extui %sign3A_34 : i1 to i32
      %sign3A_36 = arith.subi %sign3A_32, %sign3A_35 : i32
      %sign3A_37 = arith.constant 0 : i32
      %sign3A_38 = arith.cmpi sgt, %jit3A_30, %sign3A_37 : i32
      %sign3A_39 = arith.extui %sign3A_38 : i1 to i32
      %sign3A_40 = arith.constant 0 : i32
      %sign3A_41 = arith.cmpi slt, %jit3A_30, %sign3A_40 : i32
      %sign3A_42 = arith.extui %sign3A_41 : i1 to i32
      %sign3A_43 = arith.subi %sign3A_39, %sign3A_42 : i32
      %ne3A_44 = arith.cmpi ne, %sign3A_36, %sign3A_43 : i32
      %rem3A_45 = arith.remsi %add3A, %jit3A_30 : i32
      %ne3A_46 = arith.constant 0 : i32
      %ne3A_47 = arith.cmpi ne, %rem3A_45, %ne3A_46 : i32
      %and3A_48 = arith.andi %ne3A_44, %ne3A_47 : i1
      %sub3A = arith.constant 1 : i32
      %sub3A_49 = arith.subi %div3A, %sub3A : i32
      %select_n3A_50 = arith.select %and3A_48, %sub3A_49, %div3A : i32
      %mul3A_51 = arith.constant 1408 : i32
      %mul3A_52 = arith.muli %select_n3A_29, %mul3A_51 : i32
      %multiple_of3A = tpu.assume_multiple %mul3A_52, 128 : i32
      %dma_start3A = arith.constant 0 : i32
      %dma_start3A_53 = tpu.memref_slice %arg2[%select_n3A_50, %dma_start3A, %multiple_of3A] : memref<26x16x100000xf32, #tpu.memory_space<hbm>> -> memref<1x16x1408xf32, #tpu.memory_space<hbm>>
      %dma_start3A_54 = tpu.memref_squeeze %dma_start3A_53 : memref<1x16x1408xf32, #tpu.memory_space<hbm>> -> memref<16x1408xf32, #tpu.memory_space<hbm>>
      %dma_start3A_55 = arith.constant 0 : i32
      %dma_start3A_56 = tpu.memref_slice %arg2[%select_n3A_50, %dma_start3A_55, %multiple_of3A] : memref<26x16x100000xf32, #tpu.memory_space<hbm>> -> memref<1x16x1408xf32, #tpu.memory_space<hbm>>
      %dma_start3A_57 = tpu.memref_squeeze %dma_start3A_56 : memref<1x16x1408xf32, #tpu.memory_space<hbm>> -> memref<16x1408xf32, #tpu.memory_space<hbm>>
      tpu.enqueue_dma source(%dma_start3A_57 : memref<16x1408xf32, #tpu.memory_space<hbm>>) target(%arg5 : memref<16x1408xf32, #tpu.memory_space<vmem>>) target_semaphore(%arg10 : memref<!tpu.dma_semaphore, #tpu.memory_space<semaphore_mem>>)
    } else {
    }
    %scan3A = arith.constant 0 : i32
    %scan3A_3 = arith.constant 0 : i32
    %scan3A_4 = arith.constant 29 : i32
    %scan3A_5 = arith.addi %scan3A_3, %scan3A_4 : i32
    %scan3A_6 = arith.constant 1 : i32
    scf.for %scan3A_20 = %scan3A_3 to %scan3A_5 step %scan3A_6  : i32 {
      %mul3A_21 = arith.constant 2 : i32
      %mul3A_22 = arith.muli %mul3A_21, %scan3A_20 : i32
      %mul3A_23 = arith.constant 32 : i32
      %mul3A_24 = arith.muli %mul3A_22, %mul3A_23 : i32
      %add3A_25 = arith.addi %add3A, %mul3A_24 : i32
      %mul3A_26 = arith.constant 2 : i32
      %mul3A_27 = arith.muli %mul3A_26, %scan3A_20 : i32
      %add3A_28 = arith.constant 1 : i32
      %add3A_29 = arith.addi %mul3A_27, %add3A_28 : i32
      %mul3A_30 = arith.constant 32 : i32
      %mul3A_31 = arith.muli %add3A_29, %mul3A_30 : i32
      %add3A_32 = arith.addi %add3A, %mul3A_31 : i32
      %mul3A_33 = arith.constant 2 : i32
      %mul3A_34 = arith.muli %mul3A_33, %scan3A_20 : i32
      %add3A_35 = arith.constant 2 : i32
      %add3A_36 = arith.addi %mul3A_34, %add3A_35 : i32
      %mul3A_37 = arith.constant 32 : i32
      %mul3A_38 = arith.muli %add3A_36, %mul3A_37 : i32
      %add3A_39 = arith.addi %add3A, %mul3A_38 : i32
      %lt3A_40 = arith.constant 1846 : i32
      %lt3A_41 = arith.cmpi slt, %add3A_32, %lt3A_40 : i32
      %convert_element_type3A_42 = arith.extui %lt3A_41 : i1 to i32
      %cond3A_43 = arith.constant 0 : i32
      %cond3A_44 = arith.cmpi ne, %convert_element_type3A_42, %cond3A_43 : i32
      scf.if %cond3A_44 {
        %jit3A = arith.constant 71 : i32
        %eq3A = arith.constant 0 : i32
        %eq3A_60 = arith.cmpi eq, %jit3A, %eq3A : i32
        %jit3A_61 = arith.constant 1 : i32
        %select_n3A = arith.select %eq3A_60, %jit3A_61, %jit3A : i32
        %rem3A = arith.remsi %add3A_32, %select_n3A : i32
        %ne3A = arith.constant 0 : i32
        %ne3A_62 = arith.cmpi ne, %rem3A, %ne3A : i32
        %lt3A_63 = arith.constant 0 : i32
        %lt3A_64 = arith.cmpi slt, %rem3A, %lt3A_63 : i32
        %lt3A_65 = arith.constant 0 : i32
        %lt3A_66 = arith.cmpi slt, %select_n3A, %lt3A_65 : i32
        %ne3A_67 = arith.xori %lt3A_64, %lt3A_66 : i1
        %and3A = arith.andi %ne3A_67, %ne3A_62 : i1
        %add3A_68 = arith.addi %rem3A, %select_n3A : i32
        %select_n3A_69 = arith.select %and3A, %add3A_68, %rem3A : i32
        %jit3A_70 = arith.constant 71 : i32
        %div3A = arith.divsi %add3A_32, %jit3A_70 : i32
        %sign3A = arith.constant 0 : i32
        %sign3A_71 = arith.cmpi sgt, %add3A_32, %sign3A : i32
        %sign3A_72 = arith.extui %sign3A_71 : i1 to i32
        %sign3A_73 = arith.constant 0 : i32
        %sign3A_74 = arith.cmpi slt, %add3A_32, %sign3A_73 : i32
        %sign3A_75 = arith.extui %sign3A_74 : i1 to i32
        %sign3A_76 = arith.subi %sign3A_72, %sign3A_75 : i32
        %sign3A_77 = arith.constant 0 : i32
        %sign3A_78 = arith.cmpi sgt, %jit3A_70, %sign3A_77 : i32
        %sign3A_79 = arith.extui %sign3A_78 : i1 to i32
        %sign3A_80 = arith.constant 0 : i32
        %sign3A_81 = arith.cmpi slt, %jit3A_70, %sign3A_80 : i32
        %sign3A_82 = arith.extui %sign3A_81 : i1 to i32
        %sign3A_83 = arith.subi %sign3A_79, %sign3A_82 : i32
        %ne3A_84 = arith.cmpi ne, %sign3A_76, %sign3A_83 : i32
        %rem3A_85 = arith.remsi %add3A_32, %jit3A_70 : i32
        %ne3A_86 = arith.constant 0 : i32
        %ne3A_87 = arith.cmpi ne, %rem3A_85, %ne3A_86 : i32
        %and3A_88 = arith.andi %ne3A_84, %ne3A_87 : i1
        %sub3A = arith.constant 1 : i32
        %sub3A_89 = arith.subi %div3A, %sub3A : i32
        %select_n3A_90 = arith.select %and3A_88, %sub3A_89, %div3A : i32
        %mul3A_91 = arith.constant 1408 : i32
        %mul3A_92 = arith.muli %select_n3A_69, %mul3A_91 : i32
        %multiple_of3A = tpu.assume_multiple %mul3A_92, 128 : i32
        %dma_start3A = arith.constant 0 : i32
        %dma_start3A_93 = tpu.memref_slice %arg2[%select_n3A_90, %dma_start3A, %multiple_of3A] : memref<26x16x100000xf32, #tpu.memory_space<hbm>> -> memref<1x16x1408xf32, #tpu.memory_space<hbm>>
        %dma_start3A_94 = tpu.memref_squeeze %dma_start3A_93 : memref<1x16x1408xf32, #tpu.memory_space<hbm>> -> memref<16x1408xf32, #tpu.memory_space<hbm>>
        %dma_start3A_95 = arith.constant 0 : i32
        %dma_start3A_96 = tpu.memref_slice %arg2[%select_n3A_90, %dma_start3A_95, %multiple_of3A] : memref<26x16x100000xf32, #tpu.memory_space<hbm>> -> memref<1x16x1408xf32, #tpu.memory_space<hbm>>
        %dma_start3A_97 = tpu.memref_squeeze %dma_start3A_96 : memref<1x16x1408xf32, #tpu.memory_space<hbm>> -> memref<16x1408xf32, #tpu.memory_space<hbm>>
        tpu.enqueue_dma source(%dma_start3A_97 : memref<16x1408xf32, #tpu.memory_space<hbm>>) target(%arg6 : memref<16x1408xf32, #tpu.memory_space<vmem>>) target_semaphore(%arg11 : memref<!tpu.dma_semaphore, #tpu.memory_space<semaphore_mem>>)
      } else {
      }
      %lt3A_45 = arith.constant 1846 : i32
      %lt3A_46 = arith.cmpi slt, %add3A_25, %lt3A_45 : i32
      %convert_element_type3A_47 = arith.extui %lt3A_46 : i1 to i32
      %cond3A_48 = arith.constant 0 : i32
      %cond3A_49 = arith.cmpi ne, %convert_element_type3A_47, %cond3A_48 : i32
      scf.if %cond3A_49 {
        %jit3A = arith.constant 71 : i32
        %eq3A = arith.constant 0 : i32
        %eq3A_60 = arith.cmpi eq, %jit3A, %eq3A : i32
        %jit3A_61 = arith.constant 1 : i32
        %select_n3A = arith.select %eq3A_60, %jit3A_61, %jit3A : i32
        %rem3A = arith.remsi %add3A_25, %select_n3A : i32
        %ne3A = arith.constant 0 : i32
        %ne3A_62 = arith.cmpi ne, %rem3A, %ne3A : i32
        %lt3A_63 = arith.constant 0 : i32
        %lt3A_64 = arith.cmpi slt, %rem3A, %lt3A_63 : i32
        %lt3A_65 = arith.constant 0 : i32
        %lt3A_66 = arith.cmpi slt, %select_n3A, %lt3A_65 : i32
        %ne3A_67 = arith.xori %lt3A_64, %lt3A_66 : i1
        %and3A = arith.andi %ne3A_67, %ne3A_62 : i1
        %add3A_68 = arith.addi %rem3A, %select_n3A : i32
        %select_n3A_69 = arith.select %and3A, %add3A_68, %rem3A : i32
        %jit3A_70 = arith.constant 71 : i32
        %div3A = arith.divsi %add3A_25, %jit3A_70 : i32
        %sign3A = arith.constant 0 : i32
        %sign3A_71 = arith.cmpi sgt, %add3A_25, %sign3A : i32
        %sign3A_72 = arith.extui %sign3A_71 : i1 to i32
        %sign3A_73 = arith.constant 0 : i32
        %sign3A_74 = arith.cmpi slt, %add3A_25, %sign3A_73 : i32
        %sign3A_75 = arith.extui %sign3A_74 : i1 to i32
        %sign3A_76 = arith.subi %sign3A_72, %sign3A_75 : i32
        %sign3A_77 = arith.constant 0 : i32
        %sign3A_78 = arith.cmpi sgt, %jit3A_70, %sign3A_77 : i32
        %sign3A_79 = arith.extui %sign3A_78 : i1 to i32
        %sign3A_80 = arith.constant 0 : i32
        %sign3A_81 = arith.cmpi slt, %jit3A_70, %sign3A_80 : i32
        %sign3A_82 = arith.extui %sign3A_81 : i1 to i32
        %sign3A_83 = arith.subi %sign3A_79, %sign3A_82 : i32
        %ne3A_84 = arith.cmpi ne, %sign3A_76, %sign3A_83 : i32
        %rem3A_85 = arith.remsi %add3A_25, %jit3A_70 : i32
        %ne3A_86 = arith.constant 0 : i32
        %ne3A_87 = arith.cmpi ne, %rem3A_85, %ne3A_86 : i32
        %and3A_88 = arith.andi %ne3A_84, %ne3A_87 : i1
        %sub3A = arith.constant 1 : i32
        %sub3A_89 = arith.subi %div3A, %sub3A : i32
        %select_n3A_90 = arith.select %and3A_88, %sub3A_89, %div3A : i32
        %mul3A_91 = arith.constant 1408 : i32
        %mul3A_92 = arith.muli %select_n3A_69, %mul3A_91 : i32
        %multiple_of3A = tpu.assume_multiple %mul3A_92, 128 : i32
        %dma_wait3A_93 = arith.constant 0 : i32
        %dma_wait3A_94 = tpu.memref_slice %arg2[%select_n3A_90, %dma_wait3A_93, %multiple_of3A] : memref<26x16x100000xf32, #tpu.memory_space<hbm>> -> memref<1x16x1408xf32, #tpu.memory_space<hbm>>
        %dma_wait3A_95 = tpu.memref_squeeze %dma_wait3A_94 : memref<1x16x1408xf32, #tpu.memory_space<hbm>> -> memref<16x1408xf32, #tpu.memory_space<hbm>>
        %dma_wait3A_96 = arith.constant 0 : i32
        %dma_wait3A_97 = tpu.memref_slice %arg2[%select_n3A_90, %dma_wait3A_96, %multiple_of3A] : memref<26x16x100000xf32, #tpu.memory_space<hbm>> -> memref<1x16x1408xf32, #tpu.memory_space<hbm>>
        %dma_wait3A_98 = tpu.memref_squeeze %dma_wait3A_97 : memref<1x16x1408xf32, #tpu.memory_space<hbm>> -> memref<16x1408xf32, #tpu.memory_space<hbm>>
        tpu.wait_dma2 semaphore(%arg10 : memref<!tpu.dma_semaphore, #tpu.memory_space<semaphore_mem>>) src(%dma_wait3A_98 : memref<16x1408xf32, #tpu.memory_space<hbm>>) dst(%arg5 : memref<16x1408xf32, #tpu.memory_space<vmem>>)
        %gt3A = arith.constant 0 : i32
        %gt3A_99 = arith.cmpi sgt, %scan3A_20, %gt3A : i32
        %convert_element_type3A_100 = arith.extui %gt3A_99 : i1 to i32
        %cond3A_101 = arith.constant 0 : i32
        %cond3A_102 = arith.cmpi ne, %convert_element_type3A_100, %cond3A_101 : i32
        scf.if %cond3A_102 {
          %dma_wait3A_154 = arith.constant 0 : i32
          %dma_wait3A_155 = tpu.memref_slice %arg4[%dma_wait3A_154] : memref<41600000xf32, #tpu.memory_space<hbm>> -> memref<22528xf32, #tpu.memory_space<hbm>>
          %dma_wait3A_156 = arith.constant 0 : i32
          %dma_wait3A_157 = tpu.memref_slice %arg4[%dma_wait3A_156] : memref<41600000xf32, #tpu.memory_space<hbm>> -> memref<22528xf32, #tpu.memory_space<hbm>>
          tpu.wait_dma2 semaphore(%arg12 : memref<!tpu.dma_semaphore, #tpu.memory_space<semaphore_mem>>) src(%arg7 : memref<22528xf32, #tpu.memory_space<vmem>>) dst(%dma_wait3A_157 : memref<22528xf32, #tpu.memory_space<hbm>>)
        } else {
        }
        %parallel_loop3A = arith.constant 0 : i32
        %parallel_loop3A_103 = arith.constant 176 : i32
        %parallel_loop3A_104 = arith.constant 1 : i32
        scf.for %parallel_loop3A_154 = %parallel_loop3A to %parallel_loop3A_103 step %parallel_loop3A_104  : i32 {
          %parallel_loop3A_155 = arith.constant 8 : i32
          %parallel_loop3A_156 = arith.muli %parallel_loop3A_154, %parallel_loop3A_155 : i32
          %parallel_loop3A_157 = vector.broadcast %parallel_loop3A_156 : i32 to vector<16xi32>
          %parallel_loop3A_158 = arith.constant 0 : i32
          %parallel_loop3A_159 = vector.broadcast %parallel_loop3A_158 : i32 to vector<16xi32>
          %parallel_loop3A_160 = arith.addi %parallel_loop3A_157, %parallel_loop3A_159 : vector<16xi32>
          %parallel_loop3A_161 = tpu.vector_load_idx %arg5[%iota3A, %parallel_loop3A_160] : memref<16x1408xf32, #tpu.memory_space<vmem>>[vector<16xi32>, vector<16xi32>], vector<16xf32>,
          %parallel_loop3A_162 = arith.constant 1 : i32
          %parallel_loop3A_163 = vector.broadcast %parallel_loop3A_162 : i32 to vector<16xi32>
          %parallel_loop3A_164 = arith.addi %parallel_loop3A_157, %parallel_loop3A_163 : vector<16xi32>
          %parallel_loop3A_165 = tpu.vector_load_idx %arg5[%iota3A, %parallel_loop3A_164] : memref<16x1408xf32, #tpu.memory_space<vmem>>[vector<16xi32>, vector<16xi32>], vector<16xf32>,
          %parallel_loop3A_166 = arith.constant 2 : i32
          %parallel_loop3A_167 = vector.broadcast %parallel_loop3A_166 : i32 to vector<16xi32>
          %parallel_loop3A_168 = arith.addi %parallel_loop3A_157, %parallel_loop3A_167 : vector<16xi32>
          %parallel_loop3A_169 = tpu.vector_load_idx %arg5[%iota3A, %parallel_loop3A_168] : memref<16x1408xf32, #tpu.memory_space<vmem>>[vector<16xi32>, vector<16xi32>], vector<16xf32>,
          %parallel_loop3A_170 = arith.constant 3 : i32
          %parallel_loop3A_171 = vector.broadcast %parallel_loop3A_170 : i32 to vector<16xi32>
          %parallel_loop3A_172 = arith.addi %parallel_loop3A_157, %parallel_loop3A_171 : vector<16xi32>
          %parallel_loop3A_173 = tpu.vector_load_idx %arg5[%iota3A, %parallel_loop3A_172] : memref<16x1408xf32, #tpu.memory_space<vmem>>[vector<16xi32>, vector<16xi32>], vector<16xf32>,
          %parallel_loop3A_174 = arith.constant 4 : i32
          %parallel_loop3A_175 = vector.broadcast %parallel_loop3A_174 : i32 to vector<16xi32>
          %parallel_loop3A_176 = arith.addi %parallel_loop3A_157, %parallel_loop3A_175 : vector<16xi32>
          %parallel_loop3A_177 = tpu.vector_load_idx %arg5[%iota3A, %parallel_loop3A_176] : memref<16x1408xf32, #tpu.memory_space<vmem>>[vector<16xi32>, vector<16xi32>], vector<16xf32>,
          %parallel_loop3A_178 = arith.constant 5 : i32
          %parallel_loop3A_179 = vector.broadcast %parallel_loop3A_178 : i32 to vector<16xi32>
          %parallel_loop3A_180 = arith.addi %parallel_loop3A_157, %parallel_loop3A_179 : vector<16xi32>
          %parallel_loop3A_181 = tpu.vector_load_idx %arg5[%iota3A, %parallel_loop3A_180] : memref<16x1408xf32, #tpu.memory_space<vmem>>[vector<16xi32>, vector<16xi32>], vector<16xf32>,
          %parallel_loop3A_182 = arith.constant 6 : i32
          %parallel_loop3A_183 = vector.broadcast %parallel_loop3A_182 : i32 to vector<16xi32>
          %parallel_loop3A_184 = arith.addi %parallel_loop3A_157, %parallel_loop3A_183 : vector<16xi32>
          %parallel_loop3A_185 = tpu.vector_load_idx %arg5[%iota3A, %parallel_loop3A_184] : memref<16x1408xf32, #tpu.memory_space<vmem>>[vector<16xi32>, vector<16xi32>], vector<16xf32>,
          %parallel_loop3A_186 = arith.constant 7 : i32
          %parallel_loop3A_187 = vector.broadcast %parallel_loop3A_186 : i32 to vector<16xi32>
          %parallel_loop3A_188 = arith.addi %parallel_loop3A_157, %parallel_loop3A_187 : vector<16xi32>
          %parallel_loop3A_189 = tpu.vector_load_idx %arg5[%iota3A, %parallel_loop3A_188] : memref<16x1408xf32, #tpu.memory_space<vmem>>[vector<16xi32>, vector<16xi32>], vector<16xf32>,
          %parallel_loop3A_190 = arith.constant 128 : i32
          %parallel_loop3A_191 = arith.muli %parallel_loop3A_154, %parallel_loop3A_190 : i32
          %parallel_loop3A_192 = arith.constant 0 : i32
          %parallel_loop3A_193 = arith.addi %parallel_loop3A_191, %parallel_loop3A_192 : i32
          %parallel_loop3A_194 = arith.index_cast %parallel_loop3A_193 : i32 to index
          %parallel_loop3A_195 = tpu.vector_load %arg7[%parallel_loop3A_194] {strides = array<i32>} : memref<22528xf32, #tpu.memory_space<vmem>>, vector<16xf32>,
          tpu.vector_store %arg7[%parallel_loop3A_194], %parallel_loop3A_161 {strides = array<i32>} : memref<22528xf32, #tpu.memory_space<vmem>>, vector<16xf32>,
          %parallel_loop3A_196 = arith.constant 128 : i32
          %parallel_loop3A_197 = arith.muli %parallel_loop3A_154, %parallel_loop3A_196 : i32
          %parallel_loop3A_198 = arith.constant 16 : i32
          %parallel_loop3A_199 = arith.addi %parallel_loop3A_197, %parallel_loop3A_198 : i32
          %parallel_loop3A_200 = arith.index_cast %parallel_loop3A_199 : i32 to index
          %parallel_loop3A_201 = tpu.vector_load %arg7[%parallel_loop3A_200] {strides = array<i32>} : memref<22528xf32, #tpu.memory_space<vmem>>, vector<16xf32>,
          tpu.vector_store %arg7[%parallel_loop3A_200], %parallel_loop3A_165 {strides = array<i32>} : memref<22528xf32, #tpu.memory_space<vmem>>, vector<16xf32>,
          %parallel_loop3A_202 = arith.constant 128 : i32
          %parallel_loop3A_203 = arith.muli %parallel_loop3A_154, %parallel_loop3A_202 : i32
          %parallel_loop3A_204 = arith.constant 32 : i32
          %parallel_loop3A_205 = arith.addi %parallel_loop3A_203, %parallel_loop3A_204 : i32
          %parallel_loop3A_206 = arith.index_cast %parallel_loop3A_205 : i32 to index
          %parallel_loop3A_207 = tpu.vector_load %arg7[%parallel_loop3A_206] {strides = array<i32>} : memref<22528xf32, #tpu.memory_space<vmem>>, vector<16xf32>,
          tpu.vector_store %arg7[%parallel_loop3A_206], %parallel_loop3A_169 {strides = array<i32>} : memref<22528xf32, #tpu.memory_space<vmem>>, vector<16xf32>,
          %parallel_loop3A_208 = arith.constant 128 : i32
          %parallel_loop3A_209 = arith.muli %parallel_loop3A_154, %parallel_loop3A_208 : i32
          %parallel_loop3A_210 = arith.constant 48 : i32
          %parallel_loop3A_211 = arith.addi %parallel_loop3A_209, %parallel_loop3A_210 : i32
          %parallel_loop3A_212 = arith.index_cast %parallel_loop3A_211 : i32 to index
          %parallel_loop3A_213 = tpu.vector_load %arg7[%parallel_loop3A_212] {strides = array<i32>} : memref<22528xf32, #tpu.memory_space<vmem>>, vector<16xf32>,
          tpu.vector_store %arg7[%parallel_loop3A_212], %parallel_loop3A_173 {strides = array<i32>} : memref<22528xf32, #tpu.memory_space<vmem>>, vector<16xf32>,
          %parallel_loop3A_214 = arith.constant 128 : i32
          %parallel_loop3A_215 = arith.muli %parallel_loop3A_154, %parallel_loop3A_214 : i32
          %parallel_loop3A_216 = arith.constant 64 : i32
          %parallel_loop3A_217 = arith.addi %parallel_loop3A_215, %parallel_loop3A_216 : i32
          %parallel_loop3A_218 = arith.index_cast %parallel_loop3A_217 : i32 to index
          %parallel_loop3A_219 = tpu.vector_load %arg7[%parallel_loop3A_218] {strides = array<i32>} : memref<22528xf32, #tpu.memory_space<vmem>>, vector<16xf32>,
          tpu.vector_store %arg7[%parallel_loop3A_218], %parallel_loop3A_177 {strides = array<i32>} : memref<22528xf32, #tpu.memory_space<vmem>>, vector<16xf32>,
          %parallel_loop3A_220 = arith.constant 128 : i32
          %parallel_loop3A_221 = arith.muli %parallel_loop3A_154, %parallel_loop3A_220 : i32
          %parallel_loop3A_222 = arith.constant 80 : i32
          %parallel_loop3A_223 = arith.addi %parallel_loop3A_221, %parallel_loop3A_222 : i32
          %parallel_loop3A_224 = arith.index_cast %parallel_loop3A_223 : i32 to index
          %parallel_loop3A_225 = tpu.vector_load %arg7[%parallel_loop3A_224] {strides = array<i32>} : memref<22528xf32, #tpu.memory_space<vmem>>, vector<16xf32>,
          tpu.vector_store %arg7[%parallel_loop3A_224], %parallel_loop3A_181 {strides = array<i32>} : memref<22528xf32, #tpu.memory_space<vmem>>, vector<16xf32>,
          %parallel_loop3A_226 = arith.constant 128 : i32
          %parallel_loop3A_227 = arith.muli %parallel_loop3A_154, %parallel_loop3A_226 : i32
          %parallel_loop3A_228 = arith.constant 96 : i32
          %parallel_loop3A_229 = arith.addi %parallel_loop3A_227, %parallel_loop3A_228 : i32
          %parallel_loop3A_230 = arith.index_cast %parallel_loop3A_229 : i32 to index
          %parallel_loop3A_231 = tpu.vector_load %arg7[%parallel_loop3A_230] {strides = array<i32>} : memref<22528xf32, #tpu.memory_space<vmem>>, vector<16xf32>,
          tpu.vector_store %arg7[%parallel_loop3A_230], %parallel_loop3A_185 {strides = array<i32>} : memref<22528xf32, #tpu.memory_space<vmem>>, vector<16xf32>,
          %parallel_loop3A_232 = arith.constant 128 : i32
          %parallel_loop3A_233 = arith.muli %parallel_loop3A_154, %parallel_loop3A_232 : i32
          %parallel_loop3A_234 = arith.constant 112 : i32
          %parallel_loop3A_235 = arith.addi %parallel_loop3A_233, %parallel_loop3A_234 : i32
          %parallel_loop3A_236 = arith.index_cast %parallel_loop3A_235 : i32 to index
          %parallel_loop3A_237 = tpu.vector_load %arg7[%parallel_loop3A_236] {strides = array<i32>} : memref<22528xf32, #tpu.memory_space<vmem>>, vector<16xf32>,
          tpu.vector_store %arg7[%parallel_loop3A_236], %parallel_loop3A_189 {strides = array<i32>} : memref<22528xf32, #tpu.memory_space<vmem>>, vector<16xf32>,
        } {sc.loop_unroll_factor = 4 : i64, sc.parallel_access}
        %jit3A_105 = arith.constant 71 : i32
        %eq3A_106 = arith.constant 0 : i32
        %eq3A_107 = arith.cmpi eq, %jit3A_105, %eq3A_106 : i32
        %jit3A_108 = arith.constant 1 : i32
        %select_n3A_109 = arith.select %eq3A_107, %jit3A_108, %jit3A_105 : i32
        %rem3A_110 = arith.remsi %add3A_25, %select_n3A_109 : i32
        %ne3A_111 = arith.constant 0 : i32
        %ne3A_112 = arith.cmpi ne, %rem3A_110, %ne3A_111 : i32
        %lt3A_113 = arith.constant 0 : i32
        %lt3A_114 = arith.cmpi slt, %rem3A_110, %lt3A_113 : i32
        %lt3A_115 = arith.constant 0 : i32
        %lt3A_116 = arith.cmpi slt, %select_n3A_109, %lt3A_115 : i32
        %ne3A_117 = arith.xori %lt3A_114, %lt3A_116 : i1
        %and3A_118 = arith.andi %ne3A_117, %ne3A_112 : i1
        %add3A_119 = arith.addi %rem3A_110, %select_n3A_109 : i32
        %select_n3A_120 = arith.select %and3A_118, %add3A_119, %rem3A_110 : i32
        %jit3A_121 = arith.constant 71 : i32
        %div3A_122 = arith.divsi %add3A_25, %jit3A_121 : i32
        %sign3A_123 = arith.constant 0 : i32
        %sign3A_124 = arith.cmpi sgt, %add3A_25, %sign3A_123 : i32
        %sign3A_125 = arith.extui %sign3A_124 : i1 to i32
        %sign3A_126 = arith.constant 0 : i32
        %sign3A_127 = arith.cmpi slt, %add3A_25, %sign3A_126 : i32
        %sign3A_128 = arith.extui %sign3A_127 : i1 to i32
        %sign3A_129 = arith.subi %sign3A_125, %sign3A_128 : i32
        %sign3A_130 = arith.constant 0 : i32
        %sign3A_131 = arith.cmpi sgt, %jit3A_121, %sign3A_130 : i32
        %sign3A_132 = arith.extui %sign3A_131 : i1 to i32
        %sign3A_133 = arith.constant 0 : i32
        %sign3A_134 = arith.cmpi slt, %jit3A_121, %sign3A_133 : i32
        %sign3A_135 = arith.extui %sign3A_134 : i1 to i32
        %sign3A_136 = arith.subi %sign3A_132, %sign3A_135 : i32
        %ne3A_137 = arith.cmpi ne, %sign3A_129, %sign3A_136 : i32
        %rem3A_138 = arith.remsi %add3A_25, %jit3A_121 : i32
        %ne3A_139 = arith.constant 0 : i32
        %ne3A_140 = arith.cmpi ne, %rem3A_138, %ne3A_139 : i32
        %and3A_141 = arith.andi %ne3A_137, %ne3A_140 : i1
        %sub3A_142 = arith.constant 1 : i32
        %sub3A_143 = arith.subi %div3A_122, %sub3A_142 : i32
        %select_n3A_144 = arith.select %and3A_141, %sub3A_143, %div3A_122 : i32
        %mul3A_145 = arith.constant 1408 : i32
        %mul3A_146 = arith.muli %select_n3A_120, %mul3A_145 : i32
        %multiple_of3A_147 = tpu.assume_multiple %mul3A_146, 128 : i32
        %mul3A_148 = arith.constant 1600000 : i32
        %mul3A_149 = arith.muli %select_n3A_144, %mul3A_148 : i32
        %mul3A_150 = arith.constant 16 : i32
        %mul3A_151 = arith.muli %multiple_of3A_147, %mul3A_150 : i32
        %add3A_152 = arith.addi %mul3A_149, %mul3A_151 : i32
        %dma_start3A = tpu.memref_slice %arg4[%add3A_152] : memref<41600000xf32, #tpu.memory_space<hbm>> -> memref<22528xf32, #tpu.memory_space<hbm>>
        %dma_start3A_153 = tpu.memref_slice %arg4[%add3A_152] : memref<41600000xf32, #tpu.memory_space<hbm>> -> memref<22528xf32, #tpu.memory_space<hbm>>
        tpu.enqueue_dma source(%arg7 : memref<22528xf32, #tpu.memory_space<vmem>>) target(%dma_start3A_153 : memref<22528xf32, #tpu.memory_space<hbm>>) target_semaphore(%arg12 : memref<!tpu.dma_semaphore, #tpu.memory_space<semaphore_mem>>)
      } else {
      }
      %lt3A_50 = arith.constant 1846 : i32
      %lt3A_51 = arith.cmpi slt, %add3A_39, %lt3A_50 : i32
      %convert_element_type3A_52 = arith.extui %lt3A_51 : i1 to i32
      %cond3A_53 = arith.constant 0 : i32
      %cond3A_54 = arith.cmpi ne, %convert_element_type3A_52, %cond3A_53 : i32
      scf.if %cond3A_54 {
        %jit3A = arith.constant 71 : i32
        %eq3A = arith.constant 0 : i32
        %eq3A_60 = arith.cmpi eq, %jit3A, %eq3A : i32
        %jit3A_61 = arith.constant 1 : i32
        %select_n3A = arith.select %eq3A_60, %jit3A_61, %jit3A : i32
        %rem3A = arith.remsi %add3A_39, %select_n3A : i32
        %ne3A = arith.constant 0 : i32
        %ne3A_62 = arith.cmpi ne, %rem3A, %ne3A : i32
        %lt3A_63 = arith.constant 0 : i32
        %lt3A_64 = arith.cmpi slt, %rem3A, %lt3A_63 : i32
        %lt3A_65 = arith.constant 0 : i32
        %lt3A_66 = arith.cmpi slt, %select_n3A, %lt3A_65 : i32
        %ne3A_67 = arith.xori %lt3A_64, %lt3A_66 : i1
        %and3A = arith.andi %ne3A_67, %ne3A_62 : i1
        %add3A_68 = arith.addi %rem3A, %select_n3A : i32
        %select_n3A_69 = arith.select %and3A, %add3A_68, %rem3A : i32
        %jit3A_70 = arith.constant 71 : i32
        %div3A = arith.divsi %add3A_39, %jit3A_70 : i32
        %sign3A = arith.constant 0 : i32
        %sign3A_71 = arith.cmpi sgt, %add3A_39, %sign3A : i32
        %sign3A_72 = arith.extui %sign3A_71 : i1 to i32
        %sign3A_73 = arith.constant 0 : i32
        %sign3A_74 = arith.cmpi slt, %add3A_39, %sign3A_73 : i32
        %sign3A_75 = arith.extui %sign3A_74 : i1 to i32
        %sign3A_76 = arith.subi %sign3A_72, %sign3A_75 : i32
        %sign3A_77 = arith.constant 0 : i32
        %sign3A_78 = arith.cmpi sgt, %jit3A_70, %sign3A_77 : i32
        %sign3A_79 = arith.extui %sign3A_78 : i1 to i32
        %sign3A_80 = arith.constant 0 : i32
        %sign3A_81 = arith.cmpi slt, %jit3A_70, %sign3A_80 : i32
        %sign3A_82 = arith.extui %sign3A_81 : i1 to i32
        %sign3A_83 = arith.subi %sign3A_79, %sign3A_82 : i32
        %ne3A_84 = arith.cmpi ne, %sign3A_76, %sign3A_83 : i32
        %rem3A_85 = arith.remsi %add3A_39, %jit3A_70 : i32
        %ne3A_86 = arith.constant 0 : i32
        %ne3A_87 = arith.cmpi ne, %rem3A_85, %ne3A_86 : i32
        %and3A_88 = arith.andi %ne3A_84, %ne3A_87 : i1
        %sub3A = arith.constant 1 : i32
        %sub3A_89 = arith.subi %div3A, %sub3A : i32
        %select_n3A_90 = arith.select %and3A_88, %sub3A_89, %div3A : i32
        %mul3A_91 = arith.constant 1408 : i32
        %mul3A_92 = arith.muli %select_n3A_69, %mul3A_91 : i32
        %multiple_of3A = tpu.assume_multiple %mul3A_92, 128 : i32
        %dma_start3A = arith.constant 0 : i32
        %dma_start3A_93 = tpu.memref_slice %arg2[%select_n3A_90, %dma_start3A, %multiple_of3A] : memref<26x16x100000xf32, #tpu.memory_space<hbm>> -> memref<1x16x1408xf32, #tpu.memory_space<hbm>>
        %dma_start3A_94 = tpu.memref_squeeze %dma_start3A_93 : memref<1x16x1408xf32, #tpu.memory_space<hbm>> -> memref<16x1408xf32, #tpu.memory_space<hbm>>
        %dma_start3A_95 = arith.constant 0 : i32
        %dma_start3A_96 = tpu.memref_slice %arg2[%select_n3A_90, %dma_start3A_95, %multiple_of3A] : memref<26x16x100000xf32, #tpu.memory_space<hbm>> -> memref<1x16x1408xf32, #tpu.memory_space<hbm>>
        %dma_start3A_97 = tpu.memref_squeeze %dma_start3A_96 : memref<1x16x1408xf32, #tpu.memory_space<hbm>> -> memref<16x1408xf32, #tpu.memory_space<hbm>>
        tpu.enqueue_dma source(%dma_start3A_97 : memref<16x1408xf32, #tpu.memory_space<hbm>>) target(%arg5 : memref<16x1408xf32, #tpu.memory_space<vmem>>) target_semaphore(%arg10 : memref<!tpu.dma_semaphore, #tpu.memory_space<semaphore_mem>>)
      } else {
      }
      %lt3A_55 = arith.constant 1846 : i32
      %lt3A_56 = arith.cmpi slt, %add3A_32, %lt3A_55 : i32
      %convert_element_type3A_57 = arith.extui %lt3A_56 : i1 to i32
      %cond3A_58 = arith.constant 0 : i32
      %cond3A_59 = arith.cmpi ne, %convert_element_type3A_57, %cond3A_58 : i32
      scf.if %cond3A_59 {
        %jit3A = arith.constant 71 : i32
        %eq3A = arith.constant 0 : i32
        %eq3A_60 = arith.cmpi eq, %jit3A, %eq3A : i32
        %jit3A_61 = arith.constant 1 : i32
        %select_n3A = arith.select %eq3A_60, %jit3A_61, %jit3A : i32
        %rem3A = arith.remsi %add3A_32, %select_n3A : i32
        %ne3A = arith.constant 0 : i32
        %ne3A_62 = arith.cmpi ne, %rem3A, %ne3A : i32
        %lt3A_63 = arith.constant 0 : i32
        %lt3A_64 = arith.cmpi slt, %rem3A, %lt3A_63 : i32
        %lt3A_65 = arith.constant 0 : i32
        %lt3A_66 = arith.cmpi slt, %select_n3A, %lt3A_65 : i32
        %ne3A_67 = arith.xori %lt3A_64, %lt3A_66 : i1
        %and3A = arith.andi %ne3A_67, %ne3A_62 : i1
        %add3A_68 = arith.addi %rem3A, %select_n3A : i32
        %select_n3A_69 = arith.select %and3A, %add3A_68, %rem3A : i32
        %jit3A_70 = arith.constant 71 : i32
        %div3A = arith.divsi %add3A_32, %jit3A_70 : i32
        %sign3A = arith.constant 0 : i32
        %sign3A_71 = arith.cmpi sgt, %add3A_32, %sign3A : i32
        %sign3A_72 = arith.extui %sign3A_71 : i1 to i32
        %sign3A_73 = arith.constant 0 : i32
        %sign3A_74 = arith.cmpi slt, %add3A_32, %sign3A_73 : i32
        %sign3A_75 = arith.extui %sign3A_74 : i1 to i32
        %sign3A_76 = arith.subi %sign3A_72, %sign3A_75 : i32
        %sign3A_77 = arith.constant 0 : i32
        %sign3A_78 = arith.cmpi sgt, %jit3A_70, %sign3A_77 : i32
        %sign3A_79 = arith.extui %sign3A_78 : i1 to i32
        %sign3A_80 = arith.constant 0 : i32
        %sign3A_81 = arith.cmpi slt, %jit3A_70, %sign3A_80 : i32
        %sign3A_82 = arith.extui %sign3A_81 : i1 to i32
        %sign3A_83 = arith.subi %sign3A_79, %sign3A_82 : i32
        %ne3A_84 = arith.cmpi ne, %sign3A_76, %sign3A_83 : i32
        %rem3A_85 = arith.remsi %add3A_32, %jit3A_70 : i32
        %ne3A_86 = arith.constant 0 : i32
        %ne3A_87 = arith.cmpi ne, %rem3A_85, %ne3A_86 : i32
        %and3A_88 = arith.andi %ne3A_84, %ne3A_87 : i1
        %sub3A = arith.constant 1 : i32
        %sub3A_89 = arith.subi %div3A, %sub3A : i32
        %select_n3A_90 = arith.select %and3A_88, %sub3A_89, %div3A : i32
        %mul3A_91 = arith.constant 1408 : i32
        %mul3A_92 = arith.muli %select_n3A_69, %mul3A_91 : i32
        %multiple_of3A = tpu.assume_multiple %mul3A_92, 128 : i32
        %dma_wait3A_93 = arith.constant 0 : i32
        %dma_wait3A_94 = tpu.memref_slice %arg2[%select_n3A_90, %dma_wait3A_93, %multiple_of3A] : memref<26x16x100000xf32, #tpu.memory_space<hbm>> -> memref<1x16x1408xf32, #tpu.memory_space<hbm>>
        %dma_wait3A_95 = tpu.memref_squeeze %dma_wait3A_94 : memref<1x16x1408xf32, #tpu.memory_space<hbm>> -> memref<16x1408xf32, #tpu.memory_space<hbm>>
        %dma_wait3A_96 = arith.constant 0 : i32
        %dma_wait3A_97 = tpu.memref_slice %arg2[%select_n3A_90, %dma_wait3A_96, %multiple_of3A] : memref<26x16x100000xf32, #tpu.memory_space<hbm>> -> memref<1x16x1408xf32, #tpu.memory_space<hbm>>
        %dma_wait3A_98 = tpu.memref_squeeze %dma_wait3A_97 : memref<1x16x1408xf32, #tpu.memory_space<hbm>> -> memref<16x1408xf32, #tpu.memory_space<hbm>>
        tpu.wait_dma2 semaphore(%arg11 : memref<!tpu.dma_semaphore, #tpu.memory_space<semaphore_mem>>) src(%dma_wait3A_98 : memref<16x1408xf32, #tpu.memory_space<hbm>>) dst(%arg6 : memref<16x1408xf32, #tpu.memory_space<vmem>>)
        %gt3A = arith.constant 0 : i32
        %gt3A_99 = arith.cmpi sgt, %scan3A_20, %gt3A : i32
        %convert_element_type3A_100 = arith.extui %gt3A_99 : i1 to i32
        %cond3A_101 = arith.constant 0 : i32
        %cond3A_102 = arith.cmpi ne, %convert_element_type3A_100, %cond3A_101 : i32
        scf.if %cond3A_102 {
          %dma_wait3A_154 = arith.constant 0 : i32
          %dma_wait3A_155 = tpu.memref_slice %arg4[%dma_wait3A_154] : memref<41600000xf32, #tpu.memory_space<hbm>> -> memref<22528xf32, #tpu.memory_space<hbm>>
          %dma_wait3A_156 = arith.constant 0 : i32
          %dma_wait3A_157 = tpu.memref_slice %arg4[%dma_wait3A_156] : memref<41600000xf32, #tpu.memory_space<hbm>> -> memref<22528xf32, #tpu.memory_space<hbm>>
          tpu.wait_dma2 semaphore(%arg13 : memref<!tpu.dma_semaphore, #tpu.memory_space<semaphore_mem>>) src(%arg8 : memref<22528xf32, #tpu.memory_space<vmem>>) dst(%dma_wait3A_157 : memref<22528xf32, #tpu.memory_space<hbm>>)
        } else {
        }
        %parallel_loop3A = arith.constant 0 : i32
        %parallel_loop3A_103 = arith.constant 176 : i32
        %parallel_loop3A_104 = arith.constant 1 : i32
        scf.for %parallel_loop3A_154 = %parallel_loop3A to %parallel_loop3A_103 step %parallel_loop3A_104  : i32 {
          %parallel_loop3A_155 = arith.constant 8 : i32
          %parallel_loop3A_156 = arith.muli %parallel_loop3A_154, %parallel_loop3A_155 : i32
          %parallel_loop3A_157 = vector.broadcast %parallel_loop3A_156 : i32 to vector<16xi32>
          %parallel_loop3A_158 = arith.constant 0 : i32
          %parallel_loop3A_159 = vector.broadcast %parallel_loop3A_158 : i32 to vector<16xi32>
          %parallel_loop3A_160 = arith.addi %parallel_loop3A_157, %parallel_loop3A_159 : vector<16xi32>
          %parallel_loop3A_161 = tpu.vector_load_idx %arg6[%iota3A, %parallel_loop3A_160] : memref<16x1408xf32, #tpu.memory_space<vmem>>[vector<16xi32>, vector<16xi32>], vector<16xf32>,
          %parallel_loop3A_162 = arith.constant 1 : i32
          %parallel_loop3A_163 = vector.broadcast %parallel_loop3A_162 : i32 to vector<16xi32>
          %parallel_loop3A_164 = arith.addi %parallel_loop3A_157, %parallel_loop3A_163 : vector<16xi32>
          %parallel_loop3A_165 = tpu.vector_load_idx %arg6[%iota3A, %parallel_loop3A_164] : memref<16x1408xf32, #tpu.memory_space<vmem>>[vector<16xi32>, vector<16xi32>], vector<16xf32>,
          %parallel_loop3A_166 = arith.constant 2 : i32
          %parallel_loop3A_167 = vector.broadcast %parallel_loop3A_166 : i32 to vector<16xi32>
          %parallel_loop3A_168 = arith.addi %parallel_loop3A_157, %parallel_loop3A_167 : vector<16xi32>
          %parallel_loop3A_169 = tpu.vector_load_idx %arg6[%iota3A, %parallel_loop3A_168] : memref<16x1408xf32, #tpu.memory_space<vmem>>[vector<16xi32>, vector<16xi32>], vector<16xf32>,
          %parallel_loop3A_170 = arith.constant 3 : i32
          %parallel_loop3A_171 = vector.broadcast %parallel_loop3A_170 : i32 to vector<16xi32>
          %parallel_loop3A_172 = arith.addi %parallel_loop3A_157, %parallel_loop3A_171 : vector<16xi32>
          %parallel_loop3A_173 = tpu.vector_load_idx %arg6[%iota3A, %parallel_loop3A_172] : memref<16x1408xf32, #tpu.memory_space<vmem>>[vector<16xi32>, vector<16xi32>], vector<16xf32>,
          %parallel_loop3A_174 = arith.constant 4 : i32
          %parallel_loop3A_175 = vector.broadcast %parallel_loop3A_174 : i32 to vector<16xi32>
          %parallel_loop3A_176 = arith.addi %parallel_loop3A_157, %parallel_loop3A_175 : vector<16xi32>
          %parallel_loop3A_177 = tpu.vector_load_idx %arg6[%iota3A, %parallel_loop3A_176] : memref<16x1408xf32, #tpu.memory_space<vmem>>[vector<16xi32>, vector<16xi32>], vector<16xf32>,
          %parallel_loop3A_178 = arith.constant 5 : i32
          %parallel_loop3A_179 = vector.broadcast %parallel_loop3A_178 : i32 to vector<16xi32>
          %parallel_loop3A_180 = arith.addi %parallel_loop3A_157, %parallel_loop3A_179 : vector<16xi32>
          %parallel_loop3A_181 = tpu.vector_load_idx %arg6[%iota3A, %parallel_loop3A_180] : memref<16x1408xf32, #tpu.memory_space<vmem>>[vector<16xi32>, vector<16xi32>], vector<16xf32>,
          %parallel_loop3A_182 = arith.constant 6 : i32
          %parallel_loop3A_183 = vector.broadcast %parallel_loop3A_182 : i32 to vector<16xi32>
          %parallel_loop3A_184 = arith.addi %parallel_loop3A_157, %parallel_loop3A_183 : vector<16xi32>
          %parallel_loop3A_185 = tpu.vector_load_idx %arg6[%iota3A, %parallel_loop3A_184] : memref<16x1408xf32, #tpu.memory_space<vmem>>[vector<16xi32>, vector<16xi32>], vector<16xf32>,
          %parallel_loop3A_186 = arith.constant 7 : i32
          %parallel_loop3A_187 = vector.broadcast %parallel_loop3A_186 : i32 to vector<16xi32>
          %parallel_loop3A_188 = arith.addi %parallel_loop3A_157, %parallel_loop3A_187 : vector<16xi32>
          %parallel_loop3A_189 = tpu.vector_load_idx %arg6[%iota3A, %parallel_loop3A_188] : memref<16x1408xf32, #tpu.memory_space<vmem>>[vector<16xi32>, vector<16xi32>], vector<16xf32>,
          %parallel_loop3A_190 = arith.constant 128 : i32
          %parallel_loop3A_191 = arith.muli %parallel_loop3A_154, %parallel_loop3A_190 : i32
          %parallel_loop3A_192 = arith.constant 0 : i32
          %parallel_loop3A_193 = arith.addi %parallel_loop3A_191, %parallel_loop3A_192 : i32
          %parallel_loop3A_194 = arith.index_cast %parallel_loop3A_193 : i32 to index
          %parallel_loop3A_195 = tpu.vector_load %arg8[%parallel_loop3A_194] {strides = array<i32>} : memref<22528xf32, #tpu.memory_space<vmem>>, vector<16xf32>,
          tpu.vector_store %arg8[%parallel_loop3A_194], %parallel_loop3A_161 {strides = array<i32>} : memref<22528xf32, #tpu.memory_space<vmem>>, vector<16xf32>,
          %parallel_loop3A_196 = arith.constant 128 : i32
          %parallel_loop3A_197 = arith.muli %parallel_loop3A_154, %parallel_loop3A_196 : i32
          %parallel_loop3A_198 = arith.constant 16 : i32
          %parallel_loop3A_199 = arith.addi %parallel_loop3A_197, %parallel_loop3A_198 : i32
          %parallel_loop3A_200 = arith.index_cast %parallel_loop3A_199 : i32 to index
          %parallel_loop3A_201 = tpu.vector_load %arg8[%parallel_loop3A_200] {strides = array<i32>} : memref<22528xf32, #tpu.memory_space<vmem>>, vector<16xf32>,
          tpu.vector_store %arg8[%parallel_loop3A_200], %parallel_loop3A_165 {strides = array<i32>} : memref<22528xf32, #tpu.memory_space<vmem>>, vector<16xf32>,
          %parallel_loop3A_202 = arith.constant 128 : i32
          %parallel_loop3A_203 = arith.muli %parallel_loop3A_154, %parallel_loop3A_202 : i32
          %parallel_loop3A_204 = arith.constant 32 : i32
          %parallel_loop3A_205 = arith.addi %parallel_loop3A_203, %parallel_loop3A_204 : i32
          %parallel_loop3A_206 = arith.index_cast %parallel_loop3A_205 : i32 to index
          %parallel_loop3A_207 = tpu.vector_load %arg8[%parallel_loop3A_206] {strides = array<i32>} : memref<22528xf32, #tpu.memory_space<vmem>>, vector<16xf32>,
          tpu.vector_store %arg8[%parallel_loop3A_206], %parallel_loop3A_169 {strides = array<i32>} : memref<22528xf32, #tpu.memory_space<vmem>>, vector<16xf32>,
          %parallel_loop3A_208 = arith.constant 128 : i32
          %parallel_loop3A_209 = arith.muli %parallel_loop3A_154, %parallel_loop3A_208 : i32
          %parallel_loop3A_210 = arith.constant 48 : i32
          %parallel_loop3A_211 = arith.addi %parallel_loop3A_209, %parallel_loop3A_210 : i32
          %parallel_loop3A_212 = arith.index_cast %parallel_loop3A_211 : i32 to index
          %parallel_loop3A_213 = tpu.vector_load %arg8[%parallel_loop3A_212] {strides = array<i32>} : memref<22528xf32, #tpu.memory_space<vmem>>, vector<16xf32>,
          tpu.vector_store %arg8[%parallel_loop3A_212], %parallel_loop3A_173 {strides = array<i32>} : memref<22528xf32, #tpu.memory_space<vmem>>, vector<16xf32>,
          %parallel_loop3A_214 = arith.constant 128 : i32
          %parallel_loop3A_215 = arith.muli %parallel_loop3A_154, %parallel_loop3A_214 : i32
          %parallel_loop3A_216 = arith.constant 64 : i32
          %parallel_loop3A_217 = arith.addi %parallel_loop3A_215, %parallel_loop3A_216 : i32
          %parallel_loop3A_218 = arith.index_cast %parallel_loop3A_217 : i32 to index
          %parallel_loop3A_219 = tpu.vector_load %arg8[%parallel_loop3A_218] {strides = array<i32>} : memref<22528xf32, #tpu.memory_space<vmem>>, vector<16xf32>,
          tpu.vector_store %arg8[%parallel_loop3A_218], %parallel_loop3A_177 {strides = array<i32>} : memref<22528xf32, #tpu.memory_space<vmem>>, vector<16xf32>,
          %parallel_loop3A_220 = arith.constant 128 : i32
          %parallel_loop3A_221 = arith.muli %parallel_loop3A_154, %parallel_loop3A_220 : i32
          %parallel_loop3A_222 = arith.constant 80 : i32
          %parallel_loop3A_223 = arith.addi %parallel_loop3A_221, %parallel_loop3A_222 : i32
          %parallel_loop3A_224 = arith.index_cast %parallel_loop3A_223 : i32 to index
          %parallel_loop3A_225 = tpu.vector_load %arg8[%parallel_loop3A_224] {strides = array<i32>} : memref<22528xf32, #tpu.memory_space<vmem>>, vector<16xf32>,
          tpu.vector_store %arg8[%parallel_loop3A_224], %parallel_loop3A_181 {strides = array<i32>} : memref<22528xf32, #tpu.memory_space<vmem>>, vector<16xf32>,
          %parallel_loop3A_226 = arith.constant 128 : i32
          %parallel_loop3A_227 = arith.muli %parallel_loop3A_154, %parallel_loop3A_226 : i32
          %parallel_loop3A_228 = arith.constant 96 : i32
          %parallel_loop3A_229 = arith.addi %parallel_loop3A_227, %parallel_loop3A_228 : i32
          %parallel_loop3A_230 = arith.index_cast %parallel_loop3A_229 : i32 to index
          %parallel_loop3A_231 = tpu.vector_load %arg8[%parallel_loop3A_230] {strides = array<i32>} : memref<22528xf32, #tpu.memory_space<vmem>>, vector<16xf32>,
          tpu.vector_store %arg8[%parallel_loop3A_230], %parallel_loop3A_185 {strides = array<i32>} : memref<22528xf32, #tpu.memory_space<vmem>>, vector<16xf32>,
          %parallel_loop3A_232 = arith.constant 128 : i32
          %parallel_loop3A_233 = arith.muli %parallel_loop3A_154, %parallel_loop3A_232 : i32
          %parallel_loop3A_234 = arith.constant 112 : i32
          %parallel_loop3A_235 = arith.addi %parallel_loop3A_233, %parallel_loop3A_234 : i32
          %parallel_loop3A_236 = arith.index_cast %parallel_loop3A_235 : i32 to index
          %parallel_loop3A_237 = tpu.vector_load %arg8[%parallel_loop3A_236] {strides = array<i32>} : memref<22528xf32, #tpu.memory_space<vmem>>, vector<16xf32>,
          tpu.vector_store %arg8[%parallel_loop3A_236], %parallel_loop3A_189 {strides = array<i32>} : memref<22528xf32, #tpu.memory_space<vmem>>, vector<16xf32>,
        } {sc.loop_unroll_factor = 4 : i64, sc.parallel_access}
        %jit3A_105 = arith.constant 71 : i32
        %eq3A_106 = arith.constant 0 : i32
        %eq3A_107 = arith.cmpi eq, %jit3A_105, %eq3A_106 : i32
        %jit3A_108 = arith.constant 1 : i32
        %select_n3A_109 = arith.select %eq3A_107, %jit3A_108, %jit3A_105 : i32
        %rem3A_110 = arith.remsi %add3A_32, %select_n3A_109 : i32
        %ne3A_111 = arith.constant 0 : i32
        %ne3A_112 = arith.cmpi ne, %rem3A_110, %ne3A_111 : i32
        %lt3A_113 = arith.constant 0 : i32
        %lt3A_114 = arith.cmpi slt, %rem3A_110, %lt3A_113 : i32
        %lt3A_115 = arith.constant 0 : i32
        %lt3A_116 = arith.cmpi slt, %select_n3A_109, %lt3A_115 : i32
        %ne3A_117 = arith.xori %lt3A_114, %lt3A_116 : i1
        %and3A_118 = arith.andi %ne3A_117, %ne3A_112 : i1
        %add3A_119 = arith.addi %rem3A_110, %select_n3A_109 : i32
        %select_n3A_120 = arith.select %and3A_118, %add3A_119, %rem3A_110 : i32
        %jit3A_121 = arith.constant 71 : i32
        %div3A_122 = arith.divsi %add3A_32, %jit3A_121 : i32
        %sign3A_123 = arith.constant 0 : i32
        %sign3A_124 = arith.cmpi sgt, %add3A_32, %sign3A_123 : i32
        %sign3A_125 = arith.extui %sign3A_124 : i1 to i32
        %sign3A_126 = arith.constant 0 : i32
        %sign3A_127 = arith.cmpi slt, %add3A_32, %sign3A_126 : i32
        %sign3A_128 = arith.extui %sign3A_127 : i1 to i32
        %sign3A_129 = arith.subi %sign3A_125, %sign3A_128 : i32
        %sign3A_130 = arith.constant 0 : i32
        %sign3A_131 = arith.cmpi sgt, %jit3A_121, %sign3A_130 : i32
        %sign3A_132 = arith.extui %sign3A_131 : i1 to i32
        %sign3A_133 = arith.constant 0 : i32
        %sign3A_134 = arith.cmpi slt, %jit3A_121, %sign3A_133 : i32
        %sign3A_135 = arith.extui %sign3A_134 : i1 to i32
        %sign3A_136 = arith.subi %sign3A_132, %sign3A_135 : i32
        %ne3A_137 = arith.cmpi ne, %sign3A_129, %sign3A_136 : i32
        %rem3A_138 = arith.remsi %add3A_32, %jit3A_121 : i32
        %ne3A_139 = arith.constant 0 : i32
        %ne3A_140 = arith.cmpi ne, %rem3A_138, %ne3A_139 : i32
        %and3A_141 = arith.andi %ne3A_137, %ne3A_140 : i1
        %sub3A_142 = arith.constant 1 : i32
        %sub3A_143 = arith.subi %div3A_122, %sub3A_142 : i32
        %select_n3A_144 = arith.select %and3A_141, %sub3A_143, %div3A_122 : i32
        %mul3A_145 = arith.constant 1408 : i32
        %mul3A_146 = arith.muli %select_n3A_120, %mul3A_145 : i32
        %multiple_of3A_147 = tpu.assume_multiple %mul3A_146, 128 : i32
        %mul3A_148 = arith.constant 1600000 : i32
        %mul3A_149 = arith.muli %select_n3A_144, %mul3A_148 : i32
        %mul3A_150 = arith.constant 16 : i32
        %mul3A_151 = arith.muli %multiple_of3A_147, %mul3A_150 : i32
        %add3A_152 = arith.addi %mul3A_149, %mul3A_151 : i32
        %dma_start3A = tpu.memref_slice %arg4[%add3A_152] : memref<41600000xf32, #tpu.memory_space<hbm>> -> memref<22528xf32, #tpu.memory_space<hbm>>
        %dma_start3A_153 = tpu.memref_slice %arg4[%add3A_152] : memref<41600000xf32, #tpu.memory_space<hbm>> -> memref<22528xf32, #tpu.memory_space<hbm>>
        tpu.enqueue_dma source(%arg8 : memref<22528xf32, #tpu.memory_space<vmem>>) target(%dma_start3A_153 : memref<22528xf32, #tpu.memory_space<hbm>>) target_semaphore(%arg13 : memref<!tpu.dma_semaphore, #tpu.memory_space<semaphore_mem>>)
      } else {
      }
    }
    %scan3A_7 = arith.constant 29 : i32
    %dma_wait3A = arith.constant 0 : i32
    %dma_wait3A_8 = tpu.memref_slice %arg4[%dma_wait3A] : memref<41600000xf32, #tpu.memory_space<hbm>> -> memref<22528xf32, #tpu.memory_space<hbm>>
    %dma_wait3A_9 = arith.constant 0 : i32
    %dma_wait3A_10 = tpu.memref_slice %arg4[%dma_wait3A_9] : memref<41600000xf32, #tpu.memory_space<hbm>> -> memref<22528xf32, #tpu.memory_space<hbm>>
    tpu.wait_dma2 semaphore(%arg12 : memref<!tpu.dma_semaphore, #tpu.memory_space<semaphore_mem>>) src(%arg7 : memref<22528xf32, #tpu.memory_space<vmem>>) dst(%dma_wait3A_10 : memref<22528xf32, #tpu.memory_space<hbm>>)
    %dma_wait3A_11 = arith.constant 0 : i32
    %dma_wait3A_12 = tpu.memref_slice %arg4[%dma_wait3A_11] : memref<41600000xf32, #tpu.memory_space<hbm>> -> memref<22528xf32, #tpu.memory_space<hbm>>
    %dma_wait3A_13 = arith.constant 0 : i32
    %dma_wait3A_14 = tpu.memref_slice %arg4[%dma_wait3A_13] : memref<41600000xf32, #tpu.memory_space<hbm>> -> memref<22528xf32, #tpu.memory_space<hbm>>
    tpu.wait_dma2 semaphore(%arg13 : memref<!tpu.dma_semaphore, #tpu.memory_space<semaphore_mem>>) src(%arg8 : memref<22528xf32, #tpu.memory_space<vmem>>) dst(%dma_wait3A_14 : memref<22528xf32, #tpu.memory_space<hbm>>)
    %lt3A_15 = arith.constant 26 : i32
    %lt3A_16 = arith.cmpi slt, %add3A, %lt3A_15 : i32
    %convert_element_type3A_17 = arith.extui %lt3A_16 : i1 to i32
    %cond3A_18 = arith.constant 0 : i32
    %cond3A_19 = arith.cmpi ne, %convert_element_type3A_17, %cond3A_18 : i32
    scf.if %cond3A_19 {
      %mul3A_20 = arith.constant 512 : i32
      %mul3A_21 = arith.muli %add3A, %mul3A_20 : i32
      "tpu.region"() ({
        %run_scoped3A = tpu.sem_alloc : memref<!tpu.dma_semaphore, #tpu.memory_space<semaphore_mem>>
        %dma_start3A = tpu.memref_slice %arg3[%mul3A_21] : memref<13312xf32, #tpu.memory_space<hbm>> -> memref<512xf32, #tpu.memory_space<hbm>>
        %dma_start3A_26 = tpu.memref_slice %arg3[%mul3A_21] : memref<13312xf32, #tpu.memory_space<hbm>> -> memref<512xf32, #tpu.memory_space<hbm>>
        tpu.enqueue_dma source(%dma_start3A_26 : memref<512xf32, #tpu.memory_space<hbm>>) target(%arg9 : memref<512xf32, #tpu.memory_space<vmem>>) target_semaphore(%run_scoped3A : memref<!tpu.dma_semaphore, #tpu.memory_space<semaphore_mem>>)
        %dma_wait3A_27 = tpu.memref_slice %arg3[%mul3A_21] : memref<13312xf32, #tpu.memory_space<hbm>> -> memref<512xf32, #tpu.memory_space<hbm>>
        %dma_wait3A_28 = tpu.memref_slice %arg3[%mul3A_21] : memref<13312xf32, #tpu.memory_space<hbm>> -> memref<512xf32, #tpu.memory_space<hbm>>
        tpu.wait_dma2 semaphore(%run_scoped3A : memref<!tpu.dma_semaphore, #tpu.memory_space<semaphore_mem>>) src(%dma_wait3A_28 : memref<512xf32, #tpu.memory_space<hbm>>) dst(%arg9 : memref<512xf32, #tpu.memory_space<vmem>>)
        tpu.yield
      }) : () -> ()
      %mul3A_22 = arith.constant 1600000 : i32
      %mul3A_23 = arith.muli %add3A, %mul3A_22 : i32
      %add3A_24 = arith.constant 1599488 : i32
      %add3A_25 = arith.addi %mul3A_23, %add3A_24 : i32
      "tpu.region"() ({
        %run_scoped3A = tpu.sem_alloc : memref<!tpu.dma_semaphore, #tpu.memory_space<semaphore_mem>>
        %dma_start3A = tpu.memref_slice %arg4[%add3A_25] : memref<41600000xf32, #tpu.memory_space<hbm>> -> memref<512xf32, #tpu.memory_space<hbm>>
        %dma_start3A_26 = tpu.memref_slice %arg4[%add3A_25] : memref<41600000xf32, #tpu.memory_space<hbm>> -> memref<512xf32, #tpu.memory_space<hbm>>
        tpu.enqueue_dma source(%arg9 : memref<512xf32, #tpu.memory_space<vmem>>) target(%dma_start3A_26 : memref<512xf32, #tpu.memory_space<hbm>>) target_semaphore(%run_scoped3A : memref<!tpu.dma_semaphore, #tpu.memory_space<semaphore_mem>>)
        %dma_wait3A_27 = tpu.memref_slice %arg4[%add3A_25] : memref<41600000xf32, #tpu.memory_space<hbm>> -> memref<512xf32, #tpu.memory_space<hbm>>
        %dma_wait3A_28 = tpu.memref_slice %arg4[%add3A_25] : memref<41600000xf32, #tpu.memory_space<hbm>> -> memref<512xf32, #tpu.memory_space<hbm>>
        tpu.wait_dma2 semaphore(%run_scoped3A : memref<!tpu.dma_semaphore, #tpu.memory_space<semaphore_mem>>) src(%arg9 : memref<512xf32, #tpu.memory_space<vmem>>) dst(%dma_wait3A_28 : memref<512xf32, #tpu.memory_space<hbm>>)
        tpu.yield
      }) : () -> ()
    } else {
    }
    return
  }
}

module attributes {stable_mosaic.version = 14 : i64} {
  func.func @_mlp_body(%arg0: i32, %arg1: i32, %arg2: memref<2048x416xf32, #tpu.memory_space<vmem>>, %arg3: memref<2048x13xf32, #tpu.memory_space<vmem>>, %arg4: memref<416x128xf32, #tpu.memory_space<vmem>>, %arg5: memref<13x128xf32, #tpu.memory_space<vmem>>, %arg6: memref<1x128xf32, #tpu.memory_space<vmem>>, %arg7: memref<1x128xf32, #tpu.memory_space<vmem>>, %arg8: memref<1x128xf32, #tpu.memory_space<vmem>>, %arg9: memref<128x64xf32, #tpu.memory_space<vmem>>, %arg10: memref<1x64xf32, #tpu.memory_space<vmem>>, %arg11: memref<1x64xf32, #tpu.memory_space<vmem>>, %arg12: memref<1x64xf32, #tpu.memory_space<vmem>>, %arg13: memref<1x64xf32, #tpu.memory_space<vmem>>, %arg14: memref<1x1xf32, #tpu.memory_space<vmem>>, %arg15: memref<2048x1xf32, #tpu.memory_space<vmem>>, %arg16: memref<16384x128xf32, #tpu.memory_space<vmem>>, %arg17: memref<16384x64xf32, #tpu.memory_space<vmem>>, %arg18: memref<2x128xf32, #tpu.memory_space<vmem>>, %arg19: memref<2x64xf32, #tpu.memory_space<vmem>>, %arg20: memref<2x128xf32, #tpu.memory_space<vmem>>, %arg21: memref<2x64xf32, #tpu.memory_space<vmem>>) attributes {dimension_semantics = [#tpu.dimension_semantics<arbitrary>, #tpu.dimension_semantics<arbitrary>], iteration_bounds = array<i64: 3, 8>, scalar_prefetch = 0 : i64, scratch_operands = 6 : i64, tpu.core_type = #tpu.core_type<tc>, window_params = [{transform_indices = @transform_0, window_bounds = array<i64: 2048, 416>}, {transform_indices = @transform_1, window_bounds = array<i64: 2048, 13>}, {pipeline_mode = #tpu.pipeline_mode<synchronous>, transform_indices = @transform_2, window_bounds = array<i64: 416, 128>}, {pipeline_mode = #tpu.pipeline_mode<synchronous>, transform_indices = @transform_3, window_bounds = array<i64: 13, 128>}, {pipeline_mode = #tpu.pipeline_mode<synchronous>, transform_indices = @transform_4, window_bounds = array<i64: 1, 128>}, {pipeline_mode = #tpu.pipeline_mode<synchronous>, transform_indices = @transform_5, window_bounds = array<i64: 1, 128>}, {pipeline_mode = #tpu.pipeline_mode<synchronous>, transform_indices = @transform_6, window_bounds = array<i64: 1, 128>}, {pipeline_mode = #tpu.pipeline_mode<synchronous>, transform_indices = @transform_7, window_bounds = array<i64: 128, 64>}, {pipeline_mode = #tpu.pipeline_mode<synchronous>, transform_indices = @transform_8, window_bounds = array<i64: 1, 64>}, {pipeline_mode = #tpu.pipeline_mode<synchronous>, transform_indices = @transform_9, window_bounds = array<i64: 1, 64>}, {pipeline_mode = #tpu.pipeline_mode<synchronous>, transform_indices = @transform_10, window_bounds = array<i64: 1, 64>}, {pipeline_mode = #tpu.pipeline_mode<synchronous>, transform_indices = @transform_11, window_bounds = array<i64: 1, 64>}, {pipeline_mode = #tpu.pipeline_mode<synchronous>, transform_indices = @transform_12, window_bounds = array<i64: 1, 1>}, {transform_indices = @transform_13, window_bounds = array<i64: 2048, 1>}]} {
    %mul3A = arith.constant 2048 : i32
    %mul3A_0 = arith.muli %arg1, %mul3A : i32
    %multiple_of3A = tpu.assume_multiple %mul3A_0, 2048 : i32
    %eq3A = arith.constant 0 : i32
    %eq3A_1 = arith.cmpi eq, %arg0, %eq3A : i32
    %convert_element_type3A = arith.extui %eq3A_1 : i1 to i32
    %cond3A = arith.constant 0 : i32
    %cond3A_2 = arith.cmpi ne, %convert_element_type3A, %cond3A : i32
    scf.if %cond3A_2 {
      %eq3A_13 = arith.constant 0 : i32
      %eq3A_14 = arith.cmpi eq, %arg1, %eq3A_13 : i32
      %convert_element_type3A_15 = arith.extui %eq3A_14 : i1 to i32
      %cond3A_16 = arith.constant 0 : i32
      %cond3A_17 = arith.cmpi ne, %convert_element_type3A_15, %cond3A_16 : i32
      scf.if %cond3A_17 {
        %broadcast_in_dim3A_63 = arith.constant 0.000000e+00 : f32
        %broadcast_in_dim3A_64 = vector.broadcast %broadcast_in_dim3A_63 : f32 to vector<2x128xf32>
        %swap3A_65 = arith.constant 0 : index
        %swap3A_66 = arith.constant 0 : index
        %swap3A_67 = vector.load %arg18[%swap3A_65, %swap3A_66] : memref<2x128xf32, #tpu.memory_space<vmem>>, vector<2x128xf32>
        tpu.vector_store %arg18[%swap3A_65, %swap3A_66], %broadcast_in_dim3A_64 {strides = array<i32>} : memref<2x128xf32, #tpu.memory_space<vmem>>, vector<2x128xf32>,
      } else {
      }
      %get3A = arith.constant 0 : index
      %get3A_18 = arith.constant 0 : index
      %get3A_19 = vector.load %arg2[%get3A, %get3A_18] : memref<2048x416xf32, #tpu.memory_space<vmem>>, vector<2048x416xf32>
      %get3A_20 = arith.constant 0 : index
      %get3A_21 = arith.constant 0 : index
      %get3A_22 = vector.load %arg4[%get3A_20, %get3A_21] : memref<416x128xf32, #tpu.memory_space<vmem>>, vector<416x128xf32>
      %dot_general3A = arith.constant dense<0.000000e+00> : vector<2048x128xf32>
      %dot_general3A_23 = tpu.matmul %get3A_19, %get3A_22, %dot_general3A {dimension_numbers = #tpu.dot_dimension_numbers<[1], [0], [0], [1], [0, 0, 1, 1], [], []>, transpose_lhs_hint = false} : vector<2048x416xf32>, vector<416x128xf32>, vector<2048x128xf32> -> vector<2048x128xf32>
      %get3A_24 = arith.constant 0 : index
      %get3A_25 = arith.constant 0 : index
      %get3A_26 = vector.load %arg3[%get3A_24, %get3A_25] : memref<2048x13xf32, #tpu.memory_space<vmem>>, vector<2048x13xf32>
      %get3A_27 = arith.constant 0 : index
      %get3A_28 = arith.constant 0 : index
      %get3A_29 = vector.load %arg5[%get3A_27, %get3A_28] : memref<13x128xf32, #tpu.memory_space<vmem>>, vector<13x128xf32>
      %dot_general3A_30 = arith.constant dense<0.000000e+00> : vector<2048x128xf32>
      %dot_general3A_31 = tpu.matmul %get3A_26, %get3A_29, %dot_general3A_30 {dimension_numbers = #tpu.dot_dimension_numbers<[1], [0], [0], [1], [0, 0, 1, 1], [], []>, transpose_lhs_hint = false} : vector<2048x13xf32>, vector<13x128xf32>, vector<2048x128xf32> -> vector<2048x128xf32>
      %add3A = arith.addf %dot_general3A_23, %dot_general3A_31 : vector<2048x128xf32>
      %get3A_32 = arith.constant 0 : index
      %get3A_33 = arith.constant 0 : index
      %get3A_34 = vector.load %arg6[%get3A_32, %get3A_33] : memref<1x128xf32, #tpu.memory_space<vmem>>, vector<1x128xf32>
      %add3A_35 = vector.broadcast %get3A_34 : vector<1x128xf32> to vector<2048x128xf32>
      %add3A_36 = arith.addf %add3A, %add3A_35 : vector<2048x128xf32>
      %swap3A = arith.index_cast %multiple_of3A : i32 to index
      %swap3A_37 = arith.constant 0 : index
      %swap3A_38 = vector.load %arg16[%swap3A, %swap3A_37] : memref<16384x128xf32, #tpu.memory_space<vmem>>, vector<2048x128xf32>
      tpu.vector_store %arg16[%swap3A, %swap3A_37], %add3A_36 {strides = array<i32>} : memref<16384x128xf32, #tpu.memory_space<vmem>>, vector<2048x128xf32>,
      %get3A_39 = arith.constant 0 : index
      %get3A_40 = arith.constant 0 : index
      %get3A_41 = vector.load %arg18[%get3A_39, %get3A_40] : memref<2x128xf32, #tpu.memory_space<vmem>>, vector<1x128xf32>
      %reduce_sum3A = arith.constant dense<0.000000e+00> : vector<128xf32>
      %reduce_sum3A_42 = vector.multi_reduction <add>, %add3A_36, %reduce_sum3A [0] : vector<2048x128xf32> to vector<128xf32>
      %broadcast_in_dim3A = vector.shape_cast %reduce_sum3A_42 : vector<128xf32> to vector<1x128xf32>
      %add3A_43 = arith.addf %get3A_41, %broadcast_in_dim3A : vector<1x128xf32>
      %swap3A_44 = arith.constant 0 : index
      %swap3A_45 = arith.constant 0 : index
      %swap3A_46 = vector.load %arg18[%swap3A_44, %swap3A_45] : memref<2x128xf32, #tpu.memory_space<vmem>>, vector<1x128xf32>
      tpu.vector_store %arg18[%swap3A_44, %swap3A_45], %add3A_43 {strides = array<i32>} : memref<2x128xf32, #tpu.memory_space<vmem>>, vector<1x128xf32>,
      %get3A_47 = arith.constant 1 : index
      %get3A_48 = arith.constant 0 : index
      %get3A_49 = vector.load %arg18[%get3A_47, %get3A_48] : memref<2x128xf32, #tpu.memory_space<vmem>>, vector<1x128xf32>
      %mul3A_50 = arith.mulf %add3A_36, %add3A_36 : vector<2048x128xf32>
      %reduce_sum3A_51 = arith.constant dense<0.000000e+00> : vector<128xf32>
      %reduce_sum3A_52 = vector.multi_reduction <add>, %mul3A_50, %reduce_sum3A_51 [0] : vector<2048x128xf32> to vector<128xf32>
      %broadcast_in_dim3A_53 = vector.shape_cast %reduce_sum3A_52 : vector<128xf32> to vector<1x128xf32>
      %add3A_54 = arith.addf %get3A_49, %broadcast_in_dim3A_53 : vector<1x128xf32>
      %swap3A_55 = arith.constant 1 : index
      %swap3A_56 = arith.constant 0 : index
      %swap3A_57 = vector.load %arg18[%swap3A_55, %swap3A_56] : memref<2x128xf32, #tpu.memory_space<vmem>>, vector<1x128xf32>
      tpu.vector_store %arg18[%swap3A_55, %swap3A_56], %add3A_54 {strides = array<i32>} : memref<2x128xf32, #tpu.memory_space<vmem>>, vector<1x128xf32>,
      %eq3A_58 = arith.constant 7 : i32
      %eq3A_59 = arith.cmpi eq, %arg1, %eq3A_58 : i32
      %convert_element_type3A_60 = arith.extui %eq3A_59 : i1 to i32
      %cond3A_61 = arith.constant 0 : i32
      %cond3A_62 = arith.cmpi ne, %convert_element_type3A_60, %cond3A_61 : i32
      scf.if %cond3A_62 {
        %get3A_63 = arith.constant 0 : index
        %get3A_64 = arith.constant 0 : index
        %get3A_65 = vector.load %arg18[%get3A_63, %get3A_64] : memref<2x128xf32, #tpu.memory_space<vmem>>, vector<1x128xf32>
        %mul3A_66 = arith.constant 6.10351563E-5 : f32
        %mul3A_67 = vector.broadcast %mul3A_66 : f32 to vector<1x128xf32>
        %mul3A_68 = arith.mulf %get3A_65, %mul3A_67 : vector<1x128xf32>
        %get3A_69 = arith.constant 1 : index
        %get3A_70 = arith.constant 0 : index
        %get3A_71 = vector.load %arg18[%get3A_69, %get3A_70] : memref<2x128xf32, #tpu.memory_space<vmem>>, vector<1x128xf32>
        %mul3A_72 = arith.constant 6.10351563E-5 : f32
        %mul3A_73 = vector.broadcast %mul3A_72 : f32 to vector<1x128xf32>
        %mul3A_74 = arith.mulf %get3A_71, %mul3A_73 : vector<1x128xf32>
        %mul3A_75 = arith.mulf %mul3A_68, %mul3A_68 : vector<1x128xf32>
        %sub3A = arith.subf %mul3A_74, %mul3A_75 : vector<1x128xf32>
        %swap3A_76 = arith.constant 0 : index
        %swap3A_77 = arith.constant 0 : index
        %swap3A_78 = vector.load %arg20[%swap3A_76, %swap3A_77] : memref<2x128xf32, #tpu.memory_space<vmem>>, vector<1x128xf32>
        tpu.vector_store %arg20[%swap3A_76, %swap3A_77], %mul3A_68 {strides = array<i32>} : memref<2x128xf32, #tpu.memory_space<vmem>>, vector<1x128xf32>,
        %add3A_79 = arith.constant 9.99999974E-6 : f32
        %add3A_80 = vector.broadcast %add3A_79 : f32 to vector<1x128xf32>
        %add3A_81 = arith.addf %sub3A, %add3A_80 : vector<1x128xf32>
        %rsqrt3A = math.rsqrt %add3A_81 : vector<1x128xf32>
        %swap3A_82 = arith.constant 1 : index
        %swap3A_83 = arith.constant 0 : index
        %swap3A_84 = vector.load %arg20[%swap3A_82, %swap3A_83] : memref<2x128xf32, #tpu.memory_space<vmem>>, vector<1x128xf32>
        tpu.vector_store %arg20[%swap3A_82, %swap3A_83], %rsqrt3A {strides = array<i32>} : memref<2x128xf32, #tpu.memory_space<vmem>>, vector<1x128xf32>,
      } else {
      }
    } else {
    }
    %eq3A_3 = arith.constant 1 : i32
    %eq3A_4 = arith.cmpi eq, %arg0, %eq3A_3 : i32
    %convert_element_type3A_5 = arith.extui %eq3A_4 : i1 to i32
    %cond3A_6 = arith.constant 0 : i32
    %cond3A_7 = arith.cmpi ne, %convert_element_type3A_5, %cond3A_6 : i32
    scf.if %cond3A_7 {
      %eq3A_13 = arith.constant 0 : i32
      %eq3A_14 = arith.cmpi eq, %arg1, %eq3A_13 : i32
      %convert_element_type3A_15 = arith.extui %eq3A_14 : i1 to i32
      %cond3A_16 = arith.constant 0 : i32
      %cond3A_17 = arith.cmpi ne, %convert_element_type3A_15, %cond3A_16 : i32
      scf.if %cond3A_17 {
        %broadcast_in_dim3A_74 = arith.constant 0.000000e+00 : f32
        %broadcast_in_dim3A_75 = vector.broadcast %broadcast_in_dim3A_74 : f32 to vector<2x64xf32>
        %swap3A_76 = arith.constant 0 : index
        %swap3A_77 = arith.constant 0 : index
        %swap3A_78 = vector.load %arg19[%swap3A_76, %swap3A_77] : memref<2x64xf32, #tpu.memory_space<vmem>>, vector<2x64xf32>
        tpu.vector_store %arg19[%swap3A_76, %swap3A_77], %broadcast_in_dim3A_75 {strides = array<i32>} : memref<2x64xf32, #tpu.memory_space<vmem>>, vector<2x64xf32>,
      } else {
      }
      %get3A = arith.index_cast %multiple_of3A : i32 to index
      %get3A_18 = arith.constant 0 : index
      %get3A_19 = vector.load %arg16[%get3A, %get3A_18] : memref<16384x128xf32, #tpu.memory_space<vmem>>, vector<2048x128xf32>
      %get3A_20 = arith.constant 0 : index
      %get3A_21 = arith.constant 0 : index
      %get3A_22 = vector.load %arg20[%get3A_20, %get3A_21] : memref<2x128xf32, #tpu.memory_space<vmem>>, vector<1x128xf32>
      %sub3A = vector.broadcast %get3A_22 : vector<1x128xf32> to vector<2048x128xf32>
      %sub3A_23 = arith.subf %get3A_19, %sub3A : vector<2048x128xf32>
      %get3A_24 = arith.constant 1 : index
      %get3A_25 = arith.constant 0 : index
      %get3A_26 = vector.load %arg20[%get3A_24, %get3A_25] : memref<2x128xf32, #tpu.memory_space<vmem>>, vector<1x128xf32>
      %get3A_27 = arith.constant 0 : index
      %get3A_28 = arith.constant 0 : index
      %get3A_29 = vector.load %arg7[%get3A_27, %get3A_28] : memref<1x128xf32, #tpu.memory_space<vmem>>, vector<1x128xf32>
      %mul3A_30 = arith.mulf %get3A_26, %get3A_29 : vector<1x128xf32>
      %mul3A_31 = vector.broadcast %mul3A_30 : vector<1x128xf32> to vector<2048x128xf32>
      %mul3A_32 = arith.mulf %sub3A_23, %mul3A_31 : vector<2048x128xf32>
      %get3A_33 = arith.constant 0 : index
      %get3A_34 = arith.constant 0 : index
      %get3A_35 = vector.load %arg8[%get3A_33, %get3A_34] : memref<1x128xf32, #tpu.memory_space<vmem>>, vector<1x128xf32>
      %add3A = vector.broadcast %get3A_35 : vector<1x128xf32> to vector<2048x128xf32>
      %add3A_36 = arith.addf %mul3A_32, %add3A : vector<2048x128xf32>
      %max3A = arith.constant 0.000000e+00 : f32
      %max3A_37 = vector.broadcast %max3A : f32 to vector<2048x128xf32>
      %max3A_38 = arith.maximumf %add3A_36, %max3A_37 : vector<2048x128xf32>
      %get3A_39 = arith.constant 0 : index
      %get3A_40 = arith.constant 0 : index
      %get3A_41 = vector.load %arg9[%get3A_39, %get3A_40] : memref<128x64xf32, #tpu.memory_space<vmem>>, vector<128x64xf32>
      %dot_general3A = arith.constant dense<0.000000e+00> : vector<2048x64xf32>
      %dot_general3A_42 = tpu.matmul %max3A_38, %get3A_41, %dot_general3A {dimension_numbers = #tpu.dot_dimension_numbers<[1], [0], [0], [1], [0, 0, 1, 1], [], []>, transpose_lhs_hint = false} : vector<2048x128xf32>, vector<128x64xf32>, vector<2048x64xf32> -> vector<2048x64xf32>
      %get3A_43 = arith.constant 0 : index
      %get3A_44 = arith.constant 0 : index
      %get3A_45 = vector.load %arg10[%get3A_43, %get3A_44] : memref<1x64xf32, #tpu.memory_space<vmem>>, vector<1x64xf32>
      %add3A_46 = vector.broadcast %get3A_45 : vector<1x64xf32> to vector<2048x64xf32>
      %add3A_47 = arith.addf %dot_general3A_42, %add3A_46 : vector<2048x64xf32>
      %swap3A = arith.index_cast %multiple_of3A : i32 to index
      %swap3A_48 = arith.constant 0 : index
      %swap3A_49 = vector.load %arg17[%swap3A, %swap3A_48] : memref<16384x64xf32, #tpu.memory_space<vmem>>, vector<2048x64xf32>
      tpu.vector_store %arg17[%swap3A, %swap3A_48], %add3A_47 {strides = array<i32>} : memref<16384x64xf32, #tpu.memory_space<vmem>>, vector<2048x64xf32>,
      %get3A_50 = arith.constant 0 : index
      %get3A_51 = arith.constant 0 : index
      %get3A_52 = vector.load %arg19[%get3A_50, %get3A_51] : memref<2x64xf32, #tpu.memory_space<vmem>>, vector<1x64xf32>
      %reduce_sum3A = arith.constant dense<0.000000e+00> : vector<64xf32>
      %reduce_sum3A_53 = vector.multi_reduction <add>, %add3A_47, %reduce_sum3A [0] : vector<2048x64xf32> to vector<64xf32>
      %broadcast_in_dim3A = vector.shape_cast %reduce_sum3A_53 : vector<64xf32> to vector<1x64xf32>
      %add3A_54 = arith.addf %get3A_52, %broadcast_in_dim3A : vector<1x64xf32>
      %swap3A_55 = arith.constant 0 : index
      %swap3A_56 = arith.constant 0 : index
      %swap3A_57 = vector.load %arg19[%swap3A_55, %swap3A_56] : memref<2x64xf32, #tpu.memory_space<vmem>>, vector<1x64xf32>
      tpu.vector_store %arg19[%swap3A_55, %swap3A_56], %add3A_54 {strides = array<i32>} : memref<2x64xf32, #tpu.memory_space<vmem>>, vector<1x64xf32>,
      %get3A_58 = arith.constant 1 : index
      %get3A_59 = arith.constant 0 : index
      %get3A_60 = vector.load %arg19[%get3A_58, %get3A_59] : memref<2x64xf32, #tpu.memory_space<vmem>>, vector<1x64xf32>
      %mul3A_61 = arith.mulf %add3A_47, %add3A_47 : vector<2048x64xf32>
      %reduce_sum3A_62 = arith.constant dense<0.000000e+00> : vector<64xf32>
      %reduce_sum3A_63 = vector.multi_reduction <add>, %mul3A_61, %reduce_sum3A_62 [0] : vector<2048x64xf32> to vector<64xf32>
      %broadcast_in_dim3A_64 = vector.shape_cast %reduce_sum3A_63 : vector<64xf32> to vector<1x64xf32>
      %add3A_65 = arith.addf %get3A_60, %broadcast_in_dim3A_64 : vector<1x64xf32>
      %swap3A_66 = arith.constant 1 : index
      %swap3A_67 = arith.constant 0 : index
      %swap3A_68 = vector.load %arg19[%swap3A_66, %swap3A_67] : memref<2x64xf32, #tpu.memory_space<vmem>>, vector<1x64xf32>
      tpu.vector_store %arg19[%swap3A_66, %swap3A_67], %add3A_65 {strides = array<i32>} : memref<2x64xf32, #tpu.memory_space<vmem>>, vector<1x64xf32>,
      %eq3A_69 = arith.constant 7 : i32
      %eq3A_70 = arith.cmpi eq, %arg1, %eq3A_69 : i32
      %convert_element_type3A_71 = arith.extui %eq3A_70 : i1 to i32
      %cond3A_72 = arith.constant 0 : i32
      %cond3A_73 = arith.cmpi ne, %convert_element_type3A_71, %cond3A_72 : i32
      scf.if %cond3A_73 {
        %get3A_74 = arith.constant 0 : index
        %get3A_75 = arith.constant 0 : index
        %get3A_76 = vector.load %arg19[%get3A_74, %get3A_75] : memref<2x64xf32, #tpu.memory_space<vmem>>, vector<1x64xf32>
        %mul3A_77 = arith.constant 6.10351563E-5 : f32
        %mul3A_78 = vector.broadcast %mul3A_77 : f32 to vector<1x64xf32>
        %mul3A_79 = arith.mulf %get3A_76, %mul3A_78 : vector<1x64xf32>
        %get3A_80 = arith.constant 1 : index
        %get3A_81 = arith.constant 0 : index
        %get3A_82 = vector.load %arg19[%get3A_80, %get3A_81] : memref<2x64xf32, #tpu.memory_space<vmem>>, vector<1x64xf32>
        %mul3A_83 = arith.constant 6.10351563E-5 : f32
        %mul3A_84 = vector.broadcast %mul3A_83 : f32 to vector<1x64xf32>
        %mul3A_85 = arith.mulf %get3A_82, %mul3A_84 : vector<1x64xf32>
        %mul3A_86 = arith.mulf %mul3A_79, %mul3A_79 : vector<1x64xf32>
        %sub3A_87 = arith.subf %mul3A_85, %mul3A_86 : vector<1x64xf32>
        %swap3A_88 = arith.constant 0 : index
        %swap3A_89 = arith.constant 0 : index
        %swap3A_90 = vector.load %arg21[%swap3A_88, %swap3A_89] : memref<2x64xf32, #tpu.memory_space<vmem>>, vector<1x64xf32>
        tpu.vector_store %arg21[%swap3A_88, %swap3A_89], %mul3A_79 {strides = array<i32>} : memref<2x64xf32, #tpu.memory_space<vmem>>, vector<1x64xf32>,
        %add3A_91 = arith.constant 9.99999974E-6 : f32
        %add3A_92 = vector.broadcast %add3A_91 : f32 to vector<1x64xf32>
        %add3A_93 = arith.addf %sub3A_87, %add3A_92 : vector<1x64xf32>
        %rsqrt3A = math.rsqrt %add3A_93 : vector<1x64xf32>
        %swap3A_94 = arith.constant 1 : index
        %swap3A_95 = arith.constant 0 : index
        %swap3A_96 = vector.load %arg21[%swap3A_94, %swap3A_95] : memref<2x64xf32, #tpu.memory_space<vmem>>, vector<1x64xf32>
        tpu.vector_store %arg21[%swap3A_94, %swap3A_95], %rsqrt3A {strides = array<i32>} : memref<2x64xf32, #tpu.memory_space<vmem>>, vector<1x64xf32>,
      } else {
      }
    } else {
    }
    %eq3A_8 = arith.constant 2 : i32
    %eq3A_9 = arith.cmpi eq, %arg0, %eq3A_8 : i32
    %convert_element_type3A_10 = arith.extui %eq3A_9 : i1 to i32
    %cond3A_11 = arith.constant 0 : i32
    %cond3A_12 = arith.cmpi ne, %convert_element_type3A_10, %cond3A_11 : i32
    scf.if %cond3A_12 {
      %get3A = arith.index_cast %multiple_of3A : i32 to index
      %get3A_13 = arith.constant 0 : index
      %get3A_14 = vector.load %arg17[%get3A, %get3A_13] : memref<16384x64xf32, #tpu.memory_space<vmem>>, vector<2048x64xf32>
      %get3A_15 = arith.constant 0 : index
      %get3A_16 = arith.constant 0 : index
      %get3A_17 = vector.load %arg21[%get3A_15, %get3A_16] : memref<2x64xf32, #tpu.memory_space<vmem>>, vector<1x64xf32>
      %sub3A = vector.broadcast %get3A_17 : vector<1x64xf32> to vector<2048x64xf32>
      %sub3A_18 = arith.subf %get3A_14, %sub3A : vector<2048x64xf32>
      %get3A_19 = arith.constant 1 : index
      %get3A_20 = arith.constant 0 : index
      %get3A_21 = vector.load %arg21[%get3A_19, %get3A_20] : memref<2x64xf32, #tpu.memory_space<vmem>>, vector<1x64xf32>
      %get3A_22 = arith.constant 0 : index
      %get3A_23 = arith.constant 0 : index
      %get3A_24 = vector.load %arg11[%get3A_22, %get3A_23] : memref<1x64xf32, #tpu.memory_space<vmem>>, vector<1x64xf32>
      %mul3A_25 = arith.mulf %get3A_21, %get3A_24 : vector<1x64xf32>
      %mul3A_26 = vector.broadcast %mul3A_25 : vector<1x64xf32> to vector<2048x64xf32>
      %mul3A_27 = arith.mulf %sub3A_18, %mul3A_26 : vector<2048x64xf32>
      %get3A_28 = arith.constant 0 : index
      %get3A_29 = arith.constant 0 : index
      %get3A_30 = vector.load %arg12[%get3A_28, %get3A_29] : memref<1x64xf32, #tpu.memory_space<vmem>>, vector<1x64xf32>
      %add3A = vector.broadcast %get3A_30 : vector<1x64xf32> to vector<2048x64xf32>
      %add3A_31 = arith.addf %mul3A_27, %add3A : vector<2048x64xf32>
      %max3A = arith.constant 0.000000e+00 : f32
      %max3A_32 = vector.broadcast %max3A : f32 to vector<2048x64xf32>
      %max3A_33 = arith.maximumf %add3A_31, %max3A_32 : vector<2048x64xf32>
      %get3A_34 = arith.constant 0 : index
      %get3A_35 = arith.constant 0 : index
      %get3A_36 = vector.load %arg13[%get3A_34, %get3A_35] : memref<1x64xf32, #tpu.memory_space<vmem>>, vector<1x64xf32>
      %mul3A_37 = vector.broadcast %get3A_36 : vector<1x64xf32> to vector<2048x64xf32>
      %mul3A_38 = arith.mulf %max3A_33, %mul3A_37 : vector<2048x64xf32>
      %reduce_sum3A = arith.constant dense<0.000000e+00> : vector<2048xf32>
      %reduce_sum3A_39 = vector.multi_reduction <add>, %mul3A_38, %reduce_sum3A [1] : vector<2048x64xf32> to vector<2048xf32>
      %broadcast_in_dim3A = vector.shape_cast %reduce_sum3A_39 : vector<2048xf32> to vector<2048x1xf32>
      %get3A_40 = arith.constant 0 : index
      %get3A_41 = arith.constant 0 : index
      %get3A_42 = vector.load %arg14[%get3A_40, %get3A_41] : memref<1x1xf32, #tpu.memory_space<vmem>>, vector<1x1xf32>
      %add3A_43 = vector.broadcast %get3A_42 : vector<1x1xf32> to vector<2048x1xf32>
      %add3A_44 = arith.addf %broadcast_in_dim3A, %add3A_43 : vector<2048x1xf32>
      %swap3A = arith.constant 0 : index
      %swap3A_45 = arith.constant 0 : index
      %swap3A_46 = vector.load %arg15[%swap3A, %swap3A_45] : memref<2048x1xf32, #tpu.memory_space<vmem>>, vector<2048x1xf32>
      tpu.vector_store %arg15[%swap3A, %swap3A_45], %add3A_44 {strides = array<i32>} : memref<2048x1xf32, #tpu.memory_space<vmem>>, vector<2048x1xf32>,
    } else {
    }
    return
  }
  func.func @transform_0(%arg0: i32, %arg1: i32) -> (i32, i32) {
    %eq3A = arith.constant 0 : i32
    %eq3A_0 = arith.cmpi eq, %arg0, %eq3A : i32
    %jit3A = arith.constant 0 : i32
    %select_n3A = arith.select %eq3A_0, %arg1, %jit3A : i32
    %c0_i32 = arith.constant 0 : i32
    %c0_i32_1 = arith.constant 0 : i32
    return %select_n3A, %c0_i32 : i32, i32
  }
  func.func @transform_1(%arg0: i32, %arg1: i32) -> (i32, i32) {
    %eq3A = arith.constant 0 : i32
    %eq3A_0 = arith.cmpi eq, %arg0, %eq3A : i32
    %jit3A = arith.constant 0 : i32
    %select_n3A = arith.select %eq3A_0, %arg1, %jit3A : i32
    %c0_i32 = arith.constant 0 : i32
    %c0_i32_1 = arith.constant 0 : i32
    return %select_n3A, %c0_i32 : i32, i32
  }
  func.func @transform_2(%arg0: i32, %arg1: i32) -> (i32, i32) {
    %c0_i32 = arith.constant 0 : i32
    %c0_i32_0 = arith.constant 0 : i32
    %c0_i32_1 = arith.constant 0 : i32
    return %c0_i32, %c0_i32_0 : i32, i32
  }
  func.func @transform_3(%arg0: i32, %arg1: i32) -> (i32, i32) {
    %c0_i32 = arith.constant 0 : i32
    %c0_i32_0 = arith.constant 0 : i32
    %c0_i32_1 = arith.constant 0 : i32
    return %c0_i32, %c0_i32_0 : i32, i32
  }
  func.func @transform_4(%arg0: i32, %arg1: i32) -> (i32, i32) {
    %c0_i32 = arith.constant 0 : i32
    %c0_i32_0 = arith.constant 0 : i32
    %c0_i32_1 = arith.constant 0 : i32
    return %c0_i32, %c0_i32_0 : i32, i32
  }
  func.func @transform_5(%arg0: i32, %arg1: i32) -> (i32, i32) {
    %c0_i32 = arith.constant 0 : i32
    %c0_i32_0 = arith.constant 0 : i32
    %c0_i32_1 = arith.constant 0 : i32
    return %c0_i32, %c0_i32_0 : i32, i32
  }
  func.func @transform_6(%arg0: i32, %arg1: i32) -> (i32, i32) {
    %c0_i32 = arith.constant 0 : i32
    %c0_i32_0 = arith.constant 0 : i32
    %c0_i32_1 = arith.constant 0 : i32
    return %c0_i32, %c0_i32_0 : i32, i32
  }
  func.func @transform_7(%arg0: i32, %arg1: i32) -> (i32, i32) {
    %c0_i32 = arith.constant 0 : i32
    %c0_i32_0 = arith.constant 0 : i32
    %c0_i32_1 = arith.constant 0 : i32
    return %c0_i32, %c0_i32_0 : i32, i32
  }
  func.func @transform_8(%arg0: i32, %arg1: i32) -> (i32, i32) {
    %c0_i32 = arith.constant 0 : i32
    %c0_i32_0 = arith.constant 0 : i32
    %c0_i32_1 = arith.constant 0 : i32
    return %c0_i32, %c0_i32_0 : i32, i32
  }
  func.func @transform_9(%arg0: i32, %arg1: i32) -> (i32, i32) {
    %c0_i32 = arith.constant 0 : i32
    %c0_i32_0 = arith.constant 0 : i32
    %c0_i32_1 = arith.constant 0 : i32
    return %c0_i32, %c0_i32_0 : i32, i32
  }
  func.func @transform_10(%arg0: i32, %arg1: i32) -> (i32, i32) {
    %c0_i32 = arith.constant 0 : i32
    %c0_i32_0 = arith.constant 0 : i32
    %c0_i32_1 = arith.constant 0 : i32
    return %c0_i32, %c0_i32_0 : i32, i32
  }
  func.func @transform_11(%arg0: i32, %arg1: i32) -> (i32, i32) {
    %c0_i32 = arith.constant 0 : i32
    %c0_i32_0 = arith.constant 0 : i32
    %c0_i32_1 = arith.constant 0 : i32
    return %c0_i32, %c0_i32_0 : i32, i32
  }
  func.func @transform_12(%arg0: i32, %arg1: i32) -> (i32, i32) {
    %c0_i32 = arith.constant 0 : i32
    %c0_i32_0 = arith.constant 0 : i32
    %c0_i32_1 = arith.constant 0 : i32
    return %c0_i32, %c0_i32_0 : i32, i32
  }
  func.func @transform_13(%arg0: i32, %arg1: i32) -> (i32, i32) {
    %c0_i32 = arith.constant 0 : i32
    %c0_i32_0 = arith.constant 0 : i32
    return %arg1, %c0_i32 : i32, i32
  }
}

</mosaic_0001>

<sc_bundles>
// kernel: kernel.5.cloned.1.call-start
scs
__scs_entry_jumppad:
0x0: {  	(pc) =	sbr.rel $0x88, $3  }
0x1: {  	(tag) =	ssettag $0x0;
	lr =	simm.s32 $0x1  }
0x2: {  	[smem:$0x3F94] =	sst lr;
	_ =	strace $0xD0000000  }
0x3: {  	_ = 	snop  }
0x4: {  	_ = 	snop  }
0x5: {  	_ = 	snop  }
0x6: {  	_ = 	snop  }
0x7: {  	_ = 	snop  }
__scs_overlays_trampoline_lowered:
0x8: {  	[smem:$0x3FA3] =	sst s0  }
0x9: {  	[smem:$0x3FA4] =	sst s1  }
0xa: {  	[smem:$0x3FA5] =	sst s2  }
0xb: {  	[smem:$0x3FA6] =	sst s3  }
0xc: {  	[smem:$0x3FA7] =	sst s4  }
0xd: {  	[smem:$0x3FA8] =	sst s5  }
0xe: {  	[smem:$0x3FA9] =	sst s6  }
0xf: {  	[smem:$0x3FAA] =	sst s7  }
0x10: {  	[smem:$0x3FAB] =	sst s8  }
0x11: {  	[smem:$0x3FAC] =	sst s9;
	s0 =	simm.s32 @!p0 $0x0  }
0x12: {  	s1 =	sld [smem:$0x3F92];
	s0 =	simm.s32 @p0 $0x1  }
0x13: {  	[smem:$0x3FAD] =	sst s0;
	s0 =	simm.s32 @!p1 $0x0  }
0x14: {  	s2 =	sld [smem:$0x3F91];
	s0 =	simm.s32 @p1 $0x1  }
0x15: {  	[smem:$0x3FAE] =	sst s0;
	s0 =	simm.s32 @!p2 $0x0  }
0x16: {  	s3 =	sld [smem:$0x3FDB];
	s0 =	simm.s32 @p2 $0x1  }
0x17: {  	s4 =	simm.s32 $0x1BF5;
	[smem:$0x3FB0] =	sst s0  }
0x18: {  	s0 =	sld [smem:$0x3F93];
	_ =	swait.ge [sflag:s4], $0x0  }
0x19: {  	s7 =	sld [smem:$0x3F94]  }
0x1a: {  	s8 =	sadd.s32 $0xFFFFE003, lr  }
0x1b: {  	s9 =	sadd.s32 $0xFFFFFEF7, lr;
	s5 =	simm.s32 $0xFFFFFFFF;
	p2 =	slt.u32 s8, $0xFFFFF086  }
0x1c: {  	p1 =	slt.u32 s9, $0xF7A;
	s5 =	simm.s32 @!p2 $0x0  }
0x1d: {  	s5 =	simm.s32 @p1 $0x1;
	p0 =	seq.s32 s7, s2  }
0x1e: {  	s7 =	smul.u32 @!p0 $0xF7A, s2;
	p2 =	seq.s32 @!p0 s5, $0x0  }
0x1f: {  	s9 =	smul.u32 $0xF7A, s1;
	s8 =	simm.s32 @!p0 $0x1BF5;
	p2 =	por !p2, p0  }
0x20: {  	[sflag:s8] =	ssyncset.s32 @!p0 $0xFFFFF086;
	s6 =	sadd.s32 @!p0 s3, s7;
	s7 =	simm.s32 @!p0 $0x108  }
0x21: {  	s3 =	sadd.s32 s3, s9;
	s6 =	sadd.s32 @!p0 $0x88, s6;
	s7 =	simm.s32 @p2 $0x1082  }
0x22: {  	[simem:s7], [sflag:s8] =	dma.local @!p0 [hbm:s6], $0xF7A  }
0x23: {  	s9 =	sor.u32 $0xD0000000, s2;
	s6 =	simm.s32 $0x108;
	_ =	swait.ge @!p0 [sflag:s8], $0x0  }
0x24: {  	s3 =	sadd.s32 $0x88, s3;
	s6 =	simm.s32 @!p1 $0x1082;
	[sflag:s4] =	ssyncset.s32 $0xFFFFF086  }
0x25: {  	[simem:s6], [sflag:s4] =	dma.local [hbm:s3], $0xF7A  }
0x26: {  	[smem:$0x3F94] =	sst s1;
	(tag) =	ssettag s2;
	_ =	strace s9  }
0x27: {  	s1 =	sld [smem:$0x3FA4]  }
0x28: {  	s2 =	sld [smem:$0x3FA5]  }
0x29: {  	s4 =	sld [smem:$0x3FA7]  }
0x2a: {  	p0 =	seq.s32 s5, $0x0;
	s5 =	sld [smem:$0x3FA8]  }
0x2b: {  	s6 =	sld [smem:$0x3FA9]  }
0x2c: {  	s7 =	sld [smem:$0x3FAA]  }
0x2d: {  	s3 =	simm.s32 $0x108;
	s8 =	sld [smem:$0x3FAB]  }
0x2e: {  	s3 =	simm.s32 @!p0 $0x1082;
	s9 =	sld [smem:$0x3FAC]  }
0x2f: {  	lr =	sadd.s32 s0, s3;
	s0 =	sld [smem:$0x3FA3]  }
0x30: {  	s3 =	sld [smem:$0x3FA6]  }
0x31: {  	[smem:$0x3FAF] =	sst s10  }
0x32: {  	s10 =	sld [smem:$0x3FAD];
	_ =	sdelay $0x3  }
0x33: {  	p0 =	seq.s32 s10, $0x1;
	s10 =	sld [smem:$0x3FAF];
	_ =	sdelay $0x3  }
0x34: {  	[smem:$0x3FAF] =	sst s10  }
0x35: {  	s10 =	sld [smem:$0x3FAE];
	_ =	sdelay $0x3  }
0x36: {  	p1 =	seq.s32 s10, $0x1;
	s10 =	sld [smem:$0x3FAF];
	_ =	sdelay $0x3  }
0x37: {  	[smem:$0x3FAF] =	sst s10  }
0x38: {  	s10 =	sld [smem:$0x3FB0]  }
0x39: {  	_ = 	snop;
	(pc) =	sbr.ind lr, $3  }
0x3a: {  	_ = 	snop  }
0x3b: {  	_ = 	snop  }
0x3c: {  	p2 =	seq.s32 s10, $0x1;
	s10 =	sld [smem:$0x3FAF]  }
0x3d: {  	_ =	shalt  }
0x3e: {  	_ =	shalt  }
0x3f: {  	_ =	shalt  }
0x40: {  	_ =	shalt  }
0x41: {  	_ =	shalt  }
0x42: {  	_ =	shalt  }
0x43: {  	_ =	shalt  }
0x44: {  	_ =	shalt  }
0x45: {  	_ =	shalt  }
0x46: {  	_ =	shalt  }
0x47: {  	_ =	shalt  }
0x48: {  	_ =	shalt  }
0x49: {  	_ =	shalt  }
0x4a: {  	_ =	shalt  }
0x4b: {  	_ =	shalt  }
0x4c: {  	_ =	shalt  }
0x4d: {  	_ =	shalt  }
0x4e: {  	_ =	shalt  }
0x4f: {  	_ =	shalt  }
0x50: {  	_ =	shalt  }
0x51: {  	_ =	shalt  }
0x52: {  	_ =	shalt  }
0x53: {  	_ =	shalt  }
0x54: {  	_ =	shalt  }
0x55: {  	_ =	shalt  }
0x56: {  	_ =	shalt  }
0x57: {  	_ =	shalt  }
0x58: {  	_ =	shalt  }
0x59: {  	_ =	shalt  }
0x5a: {  	_ =	shalt  }
0x5b: {  	_ =	shalt  }
0x5c: {  	_ =	shalt  }
0x5d: {  	_ =	shalt  }
0x5e: {  	_ =	shalt  }
0x5f: {  	_ =	shalt  }
0x60: {  	_ =	shalt  }
0x61: {  	_ =	shalt  }
0x62: {  	_ =	shalt  }
0x63: {  	_ =	shalt  }
0x64: {  	_ =	shalt  }
0x65: {  	_ =	shalt  }
0x66: {  	_ =	shalt  }
0x67: {  	_ =	shalt  }
0x68: {  	_ =	shalt  }
0x69: {  	_ =	shalt  }
0x6a: {  	_ =	shalt  }
0x6b: {  	_ =	shalt  }
0x6c: {  	_ =	shalt  }
0x6d: {  	_ =	shalt  }
0x6e: {  	_ =	shalt  }
0x6f: {  	_ =	shalt  }
0x70: {  	_ =	shalt  }
0x71: {  	_ =	shalt  }
0x72: {  	_ =	shalt  }
0x73: {  	_ =	shalt  }
0x74: {  	_ =	shalt  }
0x75: {  	_ =	shalt  }
0x76: {  	_ =	shalt  }
0x77: {  	_ =	shalt  }
0x78: {  	_ =	shalt  }
0x79: {  	_ =	shalt  }
0x7a: {  	_ =	shalt  }
0x7b: {  	_ =	shalt  }
0x7c: {  	_ =	shalt  }
0x7d: {  	_ =	shalt  }
0x7e: {  	_ =	shalt  }
0x7f: {  	_ =	shalt  }
0x80: {  	_ =	shalt  }
0x81: {  	_ =	shalt  }
0x82: {  	_ =	shalt  }
0x83: {  	_ =	shalt  }
0x84: {  	_ =	shalt  }
0x85: {  	_ =	shalt  }
0x86: {  	_ =	shalt  }
0x87: {  	_ =	shalt  }
.Lfunc_end0:
.L_simem_size_0:
called_computation_lowered:
.L_overlay_start_0:
0x88: {  	s2 =	sld [smem:$0x3FD9]  }
0x89: {  	s3 =	sld [smem:$0x3FFE];
	_ =	sdelay $0x1  }
0x8a: {  	s1 =	srdreg.scid  }
0x8b: {  	s0 =	sand.u32 $0x1, s1  }
0x8c: {  	s17 =	sshll.u32 s0, $0xA;
	s2 =	sadd.s32 s3, s2  }
0x8d: {  	s2 =	sadd.s32 s2, s17  }
0x8e: {  	[smem:$0x3FBB] =	sst s2  }
0x8f: {  	_ = 	snop  }
0x90: {  	s2 =	sld [smem:$0x3FC7]  }
0x91: {  	s18 =	sld [smem:$0x3FD0];
	(tm) =	ssettm $0x1  }
0x92: {  	s4 =	sld [smem:$0x3FFB];
	_ =	sdelay $0x3  }
0x93: {  	_ =	strace s4  }
0x94: {  	s4 =	sld [smem:$0x3FFC];
	_ =	sdelay $0x3  }
0x95: {  	_ =	strace s4  }
0x96: {  	s4 =	sld [smem:$0x3FFD];
	_ =	sdelay $0x3  }
0x97: {  	_ =	strace s4  }
0x98: {  	_ =	strace $0x8FFFFFFF  }
0x99: {  	s19 =	sld [smem:$0x3FDB];
	_ =	sdelay $0x1  }
0x9a: {  	s5 =	simm.s32 $_scs_section_size  }
0x9b: {  	s6 =	simm.s32 $_size__tile_overlayer_lowered;
	s7 =	simm.s32 $_tile_overlayer_lowered  }
0x9c: {  	s22 =	simm.s32 $0x1BFF;
	s21 =	sshll.u32 s7, $0x1;
	s4 =	sadd.s32 s5, s19  }
0x9d: {  	s8 =	simm.s32 $0x0;
	s20 =	sshll.u32 s6, $0x1;
	s6 =	sadd.s32 s21, s4  }
0x9e: {  	[timem:s8], [sflag:s22] =	dma.local [hbm:s6], s20  }
0x9f: {  	_ =	swait.ge [sflag:s22], s20  }
0xa0: {  	s5 =	ssub.s32 $0x0, s20;
	[sflag:s22] =	ssyncset.done $0x0  }
0xa1: {  	[sflag:s22] =	ssyncadd.s32 s5;
	_ =	sdelay $0x1  }
0xa2: {  	s23 =	simm.s32 $0x1B8B  }
0xa3: {  	_ =	swait.ge [sflag:s23], $0x1  }
0xa4: {  	[sflag:s23] =	ssyncset.done $0x0  }
0xa5: {  	s25 =	simm.s32 $0x1B8E;
	s24 =	sld [smem:$0x3FFE];
	[sflag:s23] =	ssyncadd.s32 $0xFFFFFFFF  }
0xa6: {  	s26 =	simm.s32 $execute0_lowered;
	[smem:$0x3FD2] =	sst s25  }
0xa7: {  	s6 =	sshll.u32 s26, $0x1;
	_ =	strace $0x80000046;
	[dreg:$0x1] =	wrdreg $0xFFFFFFFF  }
0xa8: {  	s28 =	simm.s32 $_size_execute0_lowered;
	s4 =	sadd.s32 s4, s6;
	[dreg:$0x0] =	wrdreg $0x0  }
0xa9: {  	s6 =	sshll.u32 s28, $0x1;
	[dreg:$0x2] =	wrdreg s4  }
0xaa: {  	[dreg:$0x3] =	wrdreg s6  }
0xab: {  	[dreg:$0x4] =	wrdreg $0xC0  }
0xac: {  	_ =	task [dreg:s8], $0x5FFFF  }
0xad: {  	[dreg:$0x1] =	wrdreg $0xFFFFFFFF  }
0xae: {  	[dreg:$0x0] =	wrdreg $0x60  }
0xaf: {  	[dreg:$0x2] =	wrdreg s2  }
0xb0: {  	[dreg:$0x3] =	wrdreg s18  }
0xb1: {  	[dreg:$0x4] =	wrdreg s24  }
0xb2: {  	[dreg:$0x5] =	wrdreg $0x9  }
0xb3: {  	_ =	task.clear_ibuf [dreg:s8], $0x6FFFF;
	_ =	strace $0x90000046  }
0xb4: {  	s29 =	simm.s32 $0x9;
	_ =	strace $0x80000048  }
0xb5: {  	_ =	swait.ge [sflag:s29], $0x1  }
0xb6: {  	[sflag:s29] =	ssyncadd.s32 $0xFFFFFFFF  }
0xb7: {  	_ =	strace $0x90000048  }
0xb8: {  	_ =	sfence  }
0xb9: {  	s30 =	sld [smem:$0x0];
	_ =	sdelay $0x2  }
0xba: {  	s31 =	sshll.u32 s1, $0xD;
	s1 =	sshrl.u32 s1, $0x2  }
0xbb: {  	s3 =	sand.u32 $0x4000, s31;
	s1 =	sadd.s32 s1, s30  }
0xbc: {  	s0 =	sor.u32 s3, s0;
	s1 =	sshll.u32 s1, $0x11  }
0xbd: {  	s0 =	sor.u32 s1, s0  }
0xbe: {  	s0 =	sadd.s32 $0x8F2B, s0  }
0xbf: {  	[sflag:s0] =	ssyncadd.remote.s32 $0x1  }
0xc0: {  	_ =	sfence.sel $0xFFFF  }
0xc1: {  	[dreg:$0x0] =	wrdreg $0xFFFFFFFF;
	(pc) =	sbr.abs _section_cstart, $3  }
0xc2: {  	[dreg:$0x1] =	wrdreg $0xFFFFFFFF  }
0xc3: {  	_ =	task.clear_ibuf [dreg:s8], $0x2FFFF;
	_ =	strace $0x9FFFFFFF  }
0xc4: {  	(tm) =	ssettm $0x7FFFFFFF  }
0xc5: {  	_ =	shalt  }
tec
execute0_lowered:
.L_overlay_start_1:
0x0: {  	(tag) =	ssettag $0x1  }
0x1: {  	v0 =	vimm.s32 $0x2F80;
	vm14 =	vcmask $0x300  }
0x2: {  	v1 =	vimm.s32 $0x2F83;
	vm13 =	vcmask $0x704;
	vm12 =	vcmask $0xB08  }
0x3: {  	vm11 =	vcmask $0xF0C;
	vm10 =	vcmask $0x1310;
	vm9 =	vcmask $0x1714  }
0x4: {  	vm8 =	vcmask $0x1B18;
	vm7 =	vcmask $0x1F1C;
	vm6 =	vcmask $0x2320  }
0x5: {  	vm5 =	vcmask $0x2724;
	vm4 =	vcmask $0x2B28;
	vm3 =	vcmask $0x2F2C  }
0x6: {  	vm2 =	vcmask $0x3330;
	vm1 =	vcmask $0x3734;
	vm0 =	vcmask $0x3B38  }
0x7: {  	v2 =	vimm.s32 $0x2F81;
	v3 =	vimm.s32 $0x2F82;
	v4 =	vimm.s32 $0x2F84  }
0x8: {  	v5 =	vimm.s32 $0x2F85;
	v6 =	vimm.s32 $0x2F86;
	v7 =	vimm.s32 $0x2F87  }
0x9: {  	v0 =	vsel vm14, $0x0, v0;
	v1 =	vsel vm14, $0x3, v1;
	v2 =	vsel vm14, $0x1, v2  }
0xa: {  	v3 =	vsel vm14, $0x2, v3;
	v4 =	vsel vm14, $0x4, v4;
	v5 =	vsel vm14, $0x5, v5  }
0xb: {  	v6 =	vsel vm14, $0x6, v6;
	v7 =	vsel vm14, $0x7, v7;
	v0 =	vsel vm13, $0x80, v0  }
0xc: {  	v1 =	vsel vm13, $0x83, v1;
	v2 =	vsel vm13, $0x81, v2;
	v3 =	vsel vm13, $0x82, v3  }
0xd: {  	v4 =	vsel vm13, $0x84, v4;
	v5 =	vsel vm13, $0x85, v5;
	v6 =	vsel vm13, $0x86, v6  }
0xe: {  	v7 =	vsel vm13, $0x87, v7;
	v0 =	vsel vm12, $0x100, v0;
	v1 =	vsel vm12, $0x103, v1  }
0xf: {  	v2 =	vsel vm12, $0x101, v2;
	v3 =	vsel vm12, $0x102, v3;
	v4 =	vsel vm12, $0x104, v4  }
0x10: {  	v5 =	vsel vm12, $0x105, v5;
	v6 =	vsel vm12, $0x106, v6;
	v7 =	vsel vm12, $0x107, v7  }
0x11: {  	v0 =	vsel vm11, $0x180, v0;
	v1 =	vsel vm11, $0x183, v1;
	v2 =	vsel vm11, $0x181, v2  }
0x12: {  	v3 =	vsel vm11, $0x182, v3;
	v4 =	vsel vm11, $0x184, v4;
	v5 =	vsel vm11, $0x185, v5  }
0x13: {  	v6 =	vsel vm11, $0x186, v6;
	v7 =	vsel vm11, $0x187, v7;
	v0 =	vsel vm10, $0x200, v0  }
0x14: {  	v1 =	vsel vm10, $0x203, v1;
	v2 =	vsel vm10, $0x201, v2;
	v3 =	vsel vm10, $0x202, v3  }
0x15: {  	v4 =	vsel vm10, $0x204, v4;
	v5 =	vsel vm10, $0x205, v5;
	v6 =	vsel vm10, $0x206, v6  }
0x16: {  	v7 =	vsel vm10, $0x207, v7;
	v0 =	vsel vm9, $0x280, v0;
	v1 =	vsel vm9, $0x283, v1  }
0x17: {  	v2 =	vsel vm9, $0x281, v2;
	v3 =	vsel vm9, $0x282, v3;
	v4 =	vsel vm9, $0x284, v4  }
0x18: {  	v5 =	vsel vm9, $0x285, v5;
	v6 =	vsel vm9, $0x286, v6;
	v7 =	vsel vm9, $0x287, v7  }
0x19: {  	v0 =	vsel vm8, $0x300, v0;
	v1 =	vsel vm8, $0x303, v1;
	v2 =	vsel vm8, $0x301, v2  }
0x1a: {  	v3 =	vsel vm8, $0x302, v3;
	v4 =	vsel vm8, $0x304, v4;
	v5 =	vsel vm8, $0x305, v5  }
0x1b: {  	v6 =	vsel vm8, $0x306, v6;
	v7 =	vsel vm8, $0x307, v7;
	v0 =	vsel vm7, $0x380, v0  }
0x1c: {  	v1 =	vsel vm7, $0x383, v1;
	v2 =	vsel vm7, $0x381, v2;
	v3 =	vsel vm7, $0x382, v3  }
0x1d: {  	v4 =	vsel vm7, $0x384, v4;
	v5 =	vsel vm7, $0x385, v5;
	v6 =	vsel vm7, $0x386, v6  }
0x1e: {  	v7 =	vsel vm7, $0x387, v7;
	v0 =	vsel vm6, $0x2C00, v0;
	v1 =	vsel vm6, $0x2C03, v1  }
0x1f: {  	v2 =	vsel vm6, $0x2C01, v2;
	v3 =	vsel vm6, $0x2C02, v3;
	v4 =	vsel vm6, $0x2C04, v4  }
0x20: {  	v5 =	vsel vm6, $0x2C05, v5;
	v6 =	vsel vm6, $0x2C06, v6;
	v7 =	vsel vm6, $0x2C07, v7  }
0x21: {  	v0 =	vsel vm5, $0x2C80, v0;
	v1 =	vsel vm5, $0x2C83, v1;
	v2 =	vsel vm5, $0x2C81, v2  }
0x22: {  	v3 =	vsel vm5, $0x2C82, v3;
	v4 =	vsel vm5, $0x2C84, v4;
	v5 =	vsel vm5, $0x2C85, v5  }
0x23: {  	s0 =	rddreg [dreg:$0x0];
	v6 =	vsel vm5, $0x2C86, v6;
	v7 =	vsel vm5, $0x2C87, v7;
	v0 =	vsel vm4, $0x2D00, v0  }
0x24: {  	s8 =	rddreg [dreg:$0x1];
	v1 =	vsel vm4, $0x2D03, v1;
	v2 =	vsel vm4, $0x2D01, v2;
	v3 =	vsel vm4, $0x2D02, v3  }
0x25: {  	s2 =	srdreg.scid;
	s1 =	stileid.u32;
	v4 =	vsel vm4, $0x2D04, v4;
	v5 =	vsel vm4, $0x2D05, v5;
	v6 =	vsel vm4, $0x2D06, v6  }
0x26: {  	s5 =	rddreg [dreg:$0x2];
	s3 =	simm.s32 $0x0;
	s12 =	simm.s32 $0xC3800;
	v7 =	vsel vm4, $0x2D07, v7;
	v0 =	vsel vm3, $0x2D80, v0;
	v1 =	vsel vm3, $0x2D83, v1  }
0x27: {  	s13 =	simm.s32 $0x1;
	s14 =	simm.s32 $0xB000;
	s15 =	simm.s32 $0x2;
	v2 =	vsel vm3, $0x2D81, v2;
	v3 =	vsel vm3, $0x2D82, v3;
	v4 =	vsel vm3, $0x2D84, v4  }
0x28: {  	s16 =	simm.s32 $0x5800;
	s17 =	simm.s32 $0x10800;
	s18 =	simm.s32 $0x3;
	v5 =	vsel vm3, $0x2D85, v5;
	v6 =	vsel vm3, $0x2D86, v6;
	v7 =	vsel vm3, $0x2D87, v7  }
0x29: {  	s19 =	simm.s32 $0x4;
	s6 =	sand.u32 $0x1, s2;
	s4 =	sshll.u32 s1, $0x1;
	v0 =	vsel vm2, $0x2E00, v0;
	v1 =	vsel vm2, $0x2E03, v1;
	v2 =	vsel vm2, $0x2E01, v2  }
0x2a: {  	[smem:$0x7FF] =	sst s3;
	s5 =	sadd.s32 $0x1E00, s5;
	s4 =	sor.u32 s6, s4;
	v3 =	vsel vm2, $0x2E02, v3;
	v4 =	vsel vm2, $0x2E04, v4;
	v5 =	vsel vm2, $0x2E05, v5  }
0x2b: {  	s20 =	simm.s32 $0x0;
	p0 =	sgt.u32 s1, $0xC;
	s7 =	smul.u32 $0x186A00, s4;
	v6 =	vsel vm2, $0x2E06, v6;
	v7 =	vsel vm2, $0x2E07, v7;
	v0 =	vsel vm1, $0x2E80, v0  }
.Ltmp0:
0x2c: {  	s6 =	ssub.s32 $0x2, s6;
	_ =	strace $0x80000047;
	v1 =	vsel vm1, $0x2E83, v1;
	v2 =	vsel vm1, $0x2E81, v2;
	v3 =	vsel vm1, $0x2E82, v3;
	(pc) =	sbr.rel .LBB2_1-.Ltmp0, $4  }
0x2d: {  	s9 =	sshrl.u32 s6, $0x1;
	s10 =	smul.u32 $0x580, s4;
	s30 =	sshll.u32 s4, $0x6;
	v4 =	vsel vm1, $0x2E84, v4;
	v5 =	vsel vm1, $0x2E85, v5;
	v6 =	vsel vm1, $0x2E86, v6  }
0x2e: {  	s11 =	ssub.s32 s6, s9;
	s8 =	sadd.s32 s8, s30;
	s7 =	sshrl.u32 s7, $0x3;
	v7 =	vsel vm1, $0x2E87, v7;
	v0 =	vsel vm0, $0x2F00, v0;
	v1 =	vsel vm0, $0x2F03, v1  }
0x2f: {  	s6 =	sadd.s32 s0, s10;
	s10 =	smax.u32 s11, $0x1;
	s31 =	sadd.s32 s5, s7;
	v2 =	vsel vm0, $0x2F01, v2;
	v3 =	vsel vm0, $0x2F02, v3;
	v4 =	vsel vm0, $0x2F04, v4  }
0x30: {  	s11 =	simm.s32 $0x2C00;
	s7 =	sor.u32 $0x40, s4;
	s9 =	sadd.s32 $0x30D00, s31;
	v5 =	vsel vm0, $0x2F05, v5;
	v6 =	vsel vm0, $0x2F06, v6;
	v7 =	vsel vm0, $0x2F07, v7  }
.LBB2_9:
0x31: {  	_ =	swait.ge [sflag:s18], $0x5800  }
0x32: {  	[sflag:s18] =	ssyncset.done $0x0  }
0x33: {  	[sflag:s18] =	ssyncadd.s32 $0xFFFFA800  }
0x34: {  	_ =	swait.ge [sflag:s19], $0x5800  }
0x35: {  	s2 =	simm.s32 @!p0 $0x0;
	[sflag:s19] =	ssyncset.done $0x0  }
0x36: {  	s21 =	simm.s32 @!p0 $0x16000;
	s22 =	simm.s32 @!p0 $0x5;
	[sflag:s19] =	ssyncadd.s32 $0xFFFFA800  }
0x37: {  	[tilespmem:s21], [sflag:$0x5] =	stream.linear.gather @!p0 [hbm4b:s8+s2], $0x200, $0x38;
	[tilespmem:$0x16200] =	vst v63  }
0x38: {  	s20 =	sadd.s32 $0x1, s20;
	_ =	swait.ge @!p0 [sflag:s22], $0x200  }
0x39: {  	p1 =	sne.s32 s20, s10;
	[sflag:s22] =	ssyncset.done @!p0 $0x0  }
.Ltmp1:
0x3a: {  	[sflag:s22] =	ssyncadd.s32 @!p0 $0xFFFFFE00;
	(pc) =	sbr.rel @!p1 .LBB2_10-.Ltmp1, $4  }
0x3b: {  	[hbm4b:s9+s2] =	stream.linear.scatter @!p0 [tilespmem:s21], [sflag:$0x5], $0x200, $0x38;
	[tilespmem:$0x16200] =	vst v63  }
0x3c: {  	_ =	swait.ge @!p0 [sflag:s22], $0x200  }
0x3d: {  	[sflag:s22] =	ssyncset.done @!p0 $0x0  }
0x3e: {  	[sflag:s22] =	ssyncadd.s32 @!p0 $0xFFFFFE00  }
.LBB2_1:
.Ltmp2:
0x3f: {  	(pc) =	sbr.rel .LBB2_2-.Ltmp2, $3  }
0x40: {  	_ =	sdelay $0x1  }
0x41: {  	[tilespmem:s3], [sflag:$0x1] =	stream.strided.gather [hbm4b:s6+s11], $0x5800, s12, s11, $0x38;
	[tilespmem:$0x16200] =	vst v63  }
0x42: {  	s21 =	simm.s32 $0x0  }
.LBB2_8:
0x43: {  	s21 =	sadd.s32 $0x1, s21  }
0x44: {  	p1 =	sne.s32 s21, $0x1D  }
.Ltmp3:
0x45: {  	_ = 	snop;
	(pc) =	sbr.rel @!p1 .LBB2_9-.Ltmp3, $1  }
0x46: {  	_ =	sdelay $0x3  }
.LBB2_2:
0x47: {  	s25 =	sshll.u32 s21, $0x6  }
0x48: {  	s26 =	sor.u32 s4, s25  }
0x49: {  	s22 =	sor.u32 $0x20, s26  }
0x4a: {  	p1 =	sgt.u32 s22, $0x735  }
0x4b: {  	s23 =	smul.u32 @!p1 $0xE6C3, s22;
	_ =	sdelay $0x1  }
0x4c: {  	s23 =	sshrl.u32 @!p1 s23, $0x16  }
0x4d: {  	s24 =	smul.u32 @!p1 $0x47, s23;
	_ =	sdelay $0x1  }
0x4e: {  	s24 =	ssub.s32 @!p1 s22, s24  }
0x4f: {  	s23 =	smul.u32 @!p1 $0x187000, s23;
	s24 =	sand.u32 @!p1 $0xFFFF, s24  }
0x50: {  	s24 =	smul.u32 @!p1 $0x2C00, s24;
	_ =	sdelay $0x1  }
0x51: {  	s2 =	simm.s32 $0x0;
	s23 =	sadd.s32 @!p1 s24, s23  }
0x52: {  	s31 =	simm.s32 $0x10;
	v8 =	vmov s2;
	s28 =	simm.s32 @!p1 $0x2C00;
	s23 =	sshrl.u32 @!p1 s23, $0x3  }
0x53: {  	v10 =	vmov s31;
	v9 =	vshll.u32 v8, $0x3;
	s29 =	simm.s32 @!p1 $0xC3800;
	s30 =	simm.s32 @!p1 $0x5800;
	s23 =	sadd.s32 @!p1 s0, s23  }
0x54: {  	v8 =	vand.u32 $0x60, v8;
	v11 =	vshll.u32 v10, $0x3;
	v9 =	vand.u32 $0x3C00, v9;
	[tilespmem:s30], [sflag:$0x2] =	stream.strided.gather @!p1 [hbm4b:s23+s28], $0x5800, s29, s28, $0x38;
	[tilespmem:$0x16200] =	vst v63  }
0x55: {  	v10 =	vand.u32 $0x70, v10;
	v8 =	vor.u32 v8, v9;
	v9 =	vand.u32 $0x3C00, v11;
	_ =	swait.ge [sflag:s13], $0x5800  }
0x56: {  	p2 =	seq.s32 s21, $0x0;
	v12 =	vadd.s32 v0, v8;
	v9 =	vor.u32 v10, v9;
	[sflag:s13] =	ssyncset.done $0x0  }
0x57: {  	v10 =	vadd.s32 v4, v9;
	s23 =	simm.s32 @!p2 $0x3;
	[sflag:s13] =	ssyncadd.s32 $0xFFFFA800  }
0x58: {  	v11 =	vadd.s32 v3, v9;
	_ =	swait.ge @!p2 [sflag:s23], $0x5800  }
0x59: {  	v13 =	vadd.s32 v6, v9;
	[sflag:s23] =	ssyncset.done @!p2 $0x0  }
0x5a: {  	v8 =	vadd.s32 v1, v8;
	[sflag:s23] =	ssyncadd.s32 @!p2 $0xFFFFA800  }
0x5b: {  	v14 =	vor.u32 $0x2, v12;
	v16 =	vld.idx.msk [tilespmem:v12+s3+$0x0], $0xffff  }
0x5c: {  	v15 =	vadd.s32 v2, v9;
	v17 =	vld.idx.msk [tilespmem:v10+s3+$0x0], $0xffff  }
0x5d: {  	v21 =	vadd.s32 v5, v9;
	v19 =	vld.idx.msk [tilespmem:v11+s3+$0x0], $0xffff  }
0x5e: {  	s2 =	simm.s32 $0x18;
	v22 =	vor.u32 $0x4, v12;
	v13 =	vld.idx.msk [tilespmem:v13+s3+$0x0], $0xffff  }
0x5f: {  	v20 =	vmov s2;
	v18 =	vadd.s32 v7, v9;
	v11 =	vld.idx.msk [tilespmem:v8+s3+$0x0], $0xffff  }
0x60: {  	v26 =	vshll.u32 v20, $0x3;
	v20 =	vand.u32 $0x78, v20;
	s24 =	simm.s32 $0x8;
	v8 =	vadd.s32 v0, v9;
	v10 =	vld.idx.msk [tilespmem:v14+s3+$0x0], $0xffff  }
0x61: {  	v24 =	vor.u32 $0x5, v12;
	v27 =	vor.u32 $0x7, v12;
	v23 =	vmov s24;
	v15 =	vld.idx.msk [tilespmem:v15+s3+$0x0], $0xffff  }
0x62: {  	v25 =	vshll.u32 v23, $0x3;
	v14 =	vand.u32 $0x68, v23;
	v23 =	vand.u32 $0x3C00, v26;
	v21 =	vld.idx.msk [tilespmem:v21+s3+$0x0], $0xffff  }
0x63: {  	v25 =	vand.u32 $0x3C00, v25;
	v9 =	vadd.s32 v1, v9;
	v30 =	vld.idx.msk [tilespmem:v22+s3+$0x0], $0xffff;
	v29 =	vor.u32 v20, v23  }
0x64: {  	v20 =	vld.idx.msk [tilespmem:v18+s3+$0x0], $0xffff;
	v23 =	vor.u32 v14, v25;
	v14 =	vadd.s32 v2, v29  }
0x65: {  	v18 =	vadd.s32 v4, v23;
	v25 =	vld.idx.msk [tilespmem:v8+s3+$0x0], $0xffff  }
0x66: {  	v24 =	vld.idx.msk [tilespmem:v24+s3+$0x0], $0xffff;
	v26 =	vadd.s32 v0, v29  }
0x67: {  	s23 =	simm.s32 $0xB100;
	v27 =	vld.idx.msk [tilespmem:v27+s3+$0x0], $0xffff;
	v22 =	vadd.s32 v0, v23  }
0x68: {  	v31 =	vadd.s32 v7, v29;
	v28 =	vld.idx.msk [tilespmem:v9+s3+$0x0], $0xffff;
	[tilespmem:s23+$0x10] =	vst v15  }
0x69: {  	[tilespmem:s23+$0x20] =	vst v19;
	v9 =	vld.idx.msk [tilespmem:v14+s3+$0x0], $0xffff;
	v14 =	vor.u32 $0x1, v12  }
0x6a: {  	v8 =	vld.idx.msk [tilespmem:v18+s3+$0x0], $0xffff;
	[tilespmem:s23+$0x0] =	vst v25;
	v25 =	vadd.s32 v2, v23  }
0x6b: {  	v19 =	vor.u32 $0x6, v12;
	[tilespmem:s23+$0x40] =	vst v17;
	v18 =	vld.idx.msk [tilespmem:v26+s3+$0x0], $0xffff  }
0x6c: {  	s31 =	smul.u32 $0xE6C3, s26;
	v17 =	vadd.s32 v1, v29;
	[tilespmem:s23+$0x50] =	vst v21;
	v12 =	vld.idx.msk [tilespmem:v22+s3+$0x0], $0xffff  }
0x6d: {  	v32 =	vadd.s32 v3, v23;
	[tilespmem:s23+$0x60] =	vst v13;
	v22 =	vld.idx.msk [tilespmem:v31+s3+$0x0], $0xffff  }
0x6e: {  	s24 =	sshrl.u32 s31, $0x16;
	v21 =	vadd.s32 v7, v23;
	[tilespmem:s23+$0x30] =	vst v28;
	v28 =	vld.idx.msk [tilespmem:v14+s3+$0x0], $0xffff  }
0x6f: {  	s28 =	smul.u32 $0x47, s24;
	v15 =	vadd.s32 v1, v23;
	[tilespmem:s23+$0x70] =	vst v20;
	v14 =	vld.idx.msk [tilespmem:v25+s3+$0x0], $0xffff;
	v25 =	vadd.s32 v4, v29  }
0x70: {  	v13 =	vadd.s32 v5, v23;
	v20 =	vadd.s32 v6, v29;
	v26 =	vld.idx.msk [tilespmem:v19+s3+$0x0], $0xffff;
	[tilespmem:s23+$0xFFFFFF00] =	vst v16  }
0x71: {  	s25 =	sadd.s32 s7, s25;
	s29 =	simm.s32 $0x20;
	s26 =	ssub.s32 s26, s28;
	v19 =	vadd.s32 v6, v23;
	v17 =	vld.idx.msk [tilespmem:v17+s3+$0x0], $0xffff;
	v23 =	vadd.s32 v3, v29;
	[tilespmem:s23+$0xFFFFFF50] =	vst v24  }
0x72: {  	s30 =	simm.s32 $0xB300;
	s28 =	simm.s32 $0x0;
	s26 =	sand.u32 $0xFFFF, s26;
	v24 =	vadd.s32 v5, v29;
	[tilespmem:s23+$0xFFFFFF40] =	vst v30;
	v16 =	vld.idx.msk [tilespmem:v32+s3+$0x0], $0xffff  }
.LBB2_3:
0x73: {  	v29 =	vmov s29;
	s31 =	sadd.s32 $0x10, s29;
	s2 =	sadd.s32 $0x18, s29;
	s28 =	sadd.s32 $0x4, s28;
	[tilespmem:s23+$0xFFFFFF70] =	vst v27;
	v21 =	vld.idx.msk [tilespmem:v21+s3+$0x0], $0xffff  }
0x74: {  	v27 =	vand.u32 $0x60, v29;
	v29 =	vshll.u32 v29, $0x3;
	v30 =	vmov s31;
	p3 =	slt.u32 s28, $0xAC;
	[tilespmem:s23+$0xFFFFFF10] =	vst v28;
	v28 =	vld.idx.msk [tilespmem:v25+s3+$0x0], $0xffff  }
0x75: {  	v25 =	vand.u32 $0x3C00, v29;
	v29 =	vand.u32 $0x70, v30;
	v30 =	vshll.u32 v30, $0x3;
	[tilespmem:s23+$0xFFFFFF30] =	vst v11;
	v11 =	vld.idx.msk [tilespmem:v20+s3+$0x0], $0xffff  }
0x76: {  	v20 =	vor.u32 v27, v25;
	v25 =	vand.u32 $0x3C00, v30;
	v27 =	vmov s2;
	[tilespmem:s23+$0xFFFFFF60] =	vst v26;
	v23 =	vld.idx.msk [tilespmem:v23+s3+$0x0], $0xffff  }
0x77: {  	v26 =	vadd.s32 v0, v20;
	v20 =	vadd.s32 v1, v20;
	v25 =	vor.u32 v29, v25;
	v24 =	vld.idx.msk [tilespmem:v24+s3+$0x0], $0xffff  }
0x78: {  	v29 =	vor.u32 $0x1, v26;
	v30 =	vadd.s32 v4, v25;
	v31 =	vadd.s32 v7, v25;
	v19 =	vld.idx.msk [tilespmem:v19+s3+$0x0], $0xffff;
	[tilespmem:s23+$0xF0] =	vst v22  }
0x79: {  	s2 =	sadd.s32 $0x8, s29;
	v22 =	vor.u32 $0x2, v26;
	v32 =	vadd.s32 v3, v25;
	v33 =	vadd.s32 v6, v25;
	[tilespmem:s23+$0xFFFFFF20] =	vst v10;
	v10 =	vld.idx.msk [tilespmem:v15+s3+$0x0], $0xffff  }
0x7a: {  	v34 =	vor.u32 $0x4, v26;
	v35 =	vadd.s32 v2, v25;
	v15 =	vmov s2;
	[tilespmem:s23+$0x80] =	vst v18  }
0x7b: {  	v37 =	vshll.u32 v27, $0x3;
	v18 =	vor.u32 $0x5, v26;
	v36 =	vshll.u32 v15, $0x3;
	v38 =	vld.idx.msk [tilespmem:v13+s3+$0x0], $0xffff;
	[tilespmem:s23+$0xE0] =	vst v11  }
0x7c: {  	v11 =	vand.u32 $0x68, v15;
	v13 =	vand.u32 $0x3C00, v36;
	v36 =	vadd.s32 v5, v25;
	v39 =	vld.idx.msk [tilespmem:v26+s3+$0x0], $0xffff;
	[tilespmem:s23+$0xA0] =	vst v23  }
0x7d: {  	v40 =	vor.u32 $0x7, v26;
	v41 =	vadd.s32 v1, v25;
	v23 =	vor.u32 v11, v13;
	v30 =	vld.idx.msk [tilespmem:v30+s3+$0x0], $0xffff;
	[tilespmem:s23+$0xD0] =	vst v24  }
0x7e: {  	v11 =	vand.u32 $0x78, v27;
	v13 =	vand.u32 $0x3C00, v37;
	v42 =	vadd.s32 v0, v23;
	v32 =	vld.idx.msk [tilespmem:v32+s3+$0x0], $0xffff;
	[tilespmem:s23+$0xFFFFFFE0] =	vst v19  }
0x7f: {  	v37 =	vadd.s32 v2, v23;
	v24 =	vor.u32 v11, v13;
	v33 =	vld.idx.msk [tilespmem:v33+s3+$0x0], $0xffff;
	[tilespmem:s23+$0xFFFFFFB0] =	vst v10  }
0x80: {  	v26 =	vor.u32 $0x6, v26;
	v43 =	vadd.s32 v3, v23;
	v19 =	vadd.s32 v0, v25;
	v11 =	vld.idx.msk [tilespmem:v20+s3+$0x0], $0xffff;
	[tilespmem:s23+$0xFFFFFF80] =	vst v12  }
0x81: {  	v15 =	vadd.s32 v1, v23;
	v10 =	vld.idx.msk [tilespmem:v22+s3+$0x0], $0xffff;
	[tilespmem:s23+$0xFFFFFFF0] =	vst v21  }
0x82: {  	v27 =	vadd.s32 v0, v24;
	v12 =	vadd.s32 v4, v23;
	v22 =	vld.idx.msk [tilespmem:v35+s3+$0x0], $0xffff;
	[tilespmem:s23+$0x90] =	vst v9  }
0x83: {  	v13 =	vadd.s32 v5, v23;
	v9 =	vadd.s32 v2, v24;
	v31 =	vld.idx.msk [tilespmem:v31+s3+$0x0], $0xffff;
	[tilespmem:s23+$0xB0] =	vst v17  }
0x84: {  	v20 =	vadd.s32 v6, v24;
	v17 =	vld.idx.msk [tilespmem:v36+s3+$0x0], $0xffff;
	[tilespmem:s23+$0xFFFFFF90] =	vst v14  }
0x85: {  	v21 =	vadd.s32 v7, v23;
	v35 =	vadd.s32 v1, v24;
	v14 =	vld.idx.msk [tilespmem:v19+s3+$0x0], $0xffff;
	[tilespmem:s23+$0xFFFFFFA0] =	vst v16  }
0x86: {  	v25 =	vadd.s32 v4, v24;
	v19 =	vadd.s32 v6, v23;
	v16 =	vld.idx.msk [tilespmem:v34+s3+$0x0], $0xffff;
	[tilespmem:s23+$0xC0] =	vst v28  }
0x87: {  	v23 =	vadd.s32 v3, v24;
	v34 =	vld.idx.msk [tilespmem:v18+s3+$0x0], $0xffff;
	[tilespmem:s23+$0xFFFFFFC0] =	vst v8  }
0x88: {  	v36 =	vadd.s32 v7, v24;
	v28 =	vld.idx.msk [tilespmem:v41+s3+$0x0], $0xffff;
	[tilespmem:s23+$0xFFFFFFD0] =	vst v38;
	s23 =	smov.u32 s30  }
0x89: {  	v24 =	vadd.s32 v5, v24;
	[tilespmem:s30+$0x10] =	vst v22;
	v9 =	vld.idx.msk [tilespmem:v9+s3+$0x0], $0xffff  }
0x8a: {  	v8 =	vld.idx.msk [tilespmem:v12+s3+$0x0], $0xffff;
	[tilespmem:s30+$0x20] =	vst v32  }
0x8b: {  	[tilespmem:s30+$0x0] =	vst v14;
	v18 =	vld.idx.msk [tilespmem:v27+s3+$0x0], $0xffff  }
0x8c: {  	v12 =	vld.idx.msk [tilespmem:v42+s3+$0x0], $0xffff;
	[tilespmem:s30+$0x40] =	vst v30  }
0x8d: {  	v27 =	vld.idx.msk [tilespmem:v40+s3+$0x0], $0xffff;
	[tilespmem:s30+$0x50] =	vst v17  }
0x8e: {  	[tilespmem:s30+$0x30] =	vst v28;
	v22 =	vld.idx.msk [tilespmem:v36+s3+$0x0], $0xffff  }
.Ltmp4:
0x8f: {  	v28 =	vld.idx.msk [tilespmem:v29+s3+$0x0], $0xffff;
	[tilespmem:s30+$0x60] =	vst v33;
	(pc) =	sbr.rel @p3 .LBB2_3-.Ltmp4, $4  }
0x90: {  	v26 =	vld.idx.msk [tilespmem:v26+s3+$0x0], $0xffff;
	[tilespmem:s30+$0x70] =	vst v31  }
0x91: {  	[tilespmem:s30+$0xFFFFFF00] =	vst v39;
	v14 =	vld.idx.msk [tilespmem:v37+s3+$0x0], $0xffff  }
0x92: {  	[tilespmem:s30+$0xFFFFFF50] =	vst v34;
	v17 =	vld.idx.msk [tilespmem:v35+s3+$0x0], $0xffff  }
0x93: {  	s29 =	sadd.s32 $0x20, s29;
	s30 =	sadd.s32 $0x200, s30;
	[tilespmem:s23+$0xFFFFFF40] =	vst v16;
	v16 =	vld.idx.msk [tilespmem:v43+s3+$0x0], $0xffff  }
0x94: {  	_ =	sdelay $0x3  }
0x95: {  	v25 =	vld.idx.msk [tilespmem:v25+s3+$0x0], $0xffff  }
0x96: {  	[tilespmem:s23+$0xFFFFFF70] =	vst v27;
	v20 =	vld.idx.msk [tilespmem:v20+s3+$0x0], $0xffff  }
0x97: {  	[tilespmem:s23+$0xFFFFFF10] =	vst v28;
	v59 =	vld.idx.msk [tilespmem:v23+s3+$0x0], $0xffff  }
0x98: {  	[tilespmem:s23+$0xFFFFFF30] =	vst v11;
	v60 =	vld.idx.msk [tilespmem:v24+s3+$0x0], $0xffff  }
0x99: {  	[tilespmem:s23+$0xF0] =	vst v22;
	v19 =	vld.idx.msk [tilespmem:v19+s3+$0x0], $0xffff  }
0x9a: {  	[tilespmem:s23+$0xFFFFFF20] =	vst v10;
	v61 =	vld.idx.msk [tilespmem:v15+s3+$0x0], $0xffff  }
0x9b: {  	[tilespmem:s23+$0x80] =	vst v18;
	v62 =	vld.idx.msk [tilespmem:v21+s3+$0x0], $0xffff  }
0x9c: {  	v63 =	vld.idx.msk [tilespmem:v13+s3+$0x0], $0xffff;
	[tilespmem:s23+$0xFFFFFF80] =	vst v12  }
0x9d: {  	[tilespmem:s23+$0x90] =	vst v9  }
0x9e: {  	[tilespmem:s23+$0xFFFFFFC0] =	vst v8  }
0x9f: {  	[tilespmem:s23+$0xFFFFFF60] =	vst v26  }
0xa0: {  	[tilespmem:s23+$0xFFFFFF90] =	vst v14  }
0xa1: {  	[tilespmem:s23+$0xB0] =	vst v17  }
0xa2: {  	[tilespmem:s23+$0xFFFFFFA0] =	vst v16  }
0xa3: {  	[tilespmem:s23+$0xE0] =	vst v20  }
0xa4: {  	p3 =	sgt.u32 s25, $0x735;
	s24 =	smul.u32 $0x186A00, s24;
	[tilespmem:s23+$0xA0] =	vst v59  }
0xa5: {  	s2 =	smul.u32 @!p3 $0xE6C3, s25;
	[tilespmem:s23+$0xD0] =	vst v60  }
0xa6: {  	s26 =	smul.u32 $0x5800, s26;
	[tilespmem:s23+$0xFFFFFFE0] =	vst v19  }
0xa7: {  	s2 =	sshrl.u32 @!p3 s2, $0x16;
	[tilespmem:s23+$0xFFFFFFB0] =	vst v61  }
0xa8: {  	s24 =	sadd.s32 s26, s24;
	s28 =	smul.u32 @!p3 $0x47, s2;
	[tilespmem:s23+$0xFFFFFFF0] =	vst v62  }
0xa9: {  	s24 =	sshrl.u32 s24, $0x3;
	[tilespmem:s23+$0xC0] =	vst v25  }
0xaa: {  	s31 =	sadd.s32 s5, s24;
	[tilespmem:s23+$0xFFFFFFD0] =	vst v63;
	s25 =	ssub.s32 @!p3 s25, s28  }
0xab: {  	[hbm4b:s31+s3] =	stream.linear.scatter [tilespmem:s14], [sflag:$0x3], $0x5800, $0x38;
	[tilespmem:$0x16200] =	vst v63  }
0xac: {  	s2 =	smul.u32 @!p3 $0x187000, s2;
	s25 =	sand.u32 @!p3 $0xFFFF, s25  }
0xad: {  	s24 =	smul.u32 @!p3 $0x2C00, s25  }
.Ltmp5:
0xae: {  	_ = 	snop;
	(pc) =	sbr.rel @p1 .LBB2_8-.Ltmp5, $4  }
0xaf: {  	s2 =	sadd.s32 @!p3 s24, s2  }
0xb0: {  	s23 =	simm.s32 @!p3 $0x2C00;
	s2 =	sshrl.u32 @!p3 s2, $0x3  }
0xb1: {  	s25 =	simm.s32 @!p3 $0x0;
	s24 =	simm.s32 @!p3 $0xC3800;
	s2 =	sadd.s32 @!p3 s0, s2  }
0xb2: {  	[tilespmem:s25], [sflag:$0x1] =	stream.strided.gather @!p3 [hbm4b:s2+s23], $0x5800, s24, s23, $0x38;
	[tilespmem:$0x16200] =	vst v63  }
0xb3: {  	s2 =	simm.s32 $0x0  }
0xb4: {  	s26 =	simm.s32 $0x10;
	v8 =	vmov s2  }
0xb5: {  	v10 =	vmov s26;
	v9 =	vshll.u32 v8, $0x3  }
0xb6: {  	v8 =	vand.u32 $0x60, v8;
	v11 =	vshll.u32 v10, $0x3;
	v9 =	vand.u32 $0x3C00, v9  }
0xb7: {  	_ =	swait.ge [sflag:s15], $0x5800;
	v10 =	vand.u32 $0x70, v10;
	v8 =	vor.u32 v8, v9;
	v9 =	vand.u32 $0x3C00, v11  }
0xb8: {  	[sflag:s15] =	ssyncset.done $0x0;
	v12 =	vadd.s32 v0, v8;
	v9 =	vor.u32 v10, v9  }
0xb9: {  	s2 =	simm.s32 @!p2 $0x4;
	[sflag:s15] =	ssyncadd.s32 $0xFFFFA800;
	v10 =	vadd.s32 v4, v9  }
0xba: {  	_ =	swait.ge @!p2 [sflag:s2], $0x5800;
	v11 =	vadd.s32 v3, v9  }
0xbb: {  	[sflag:s2] =	ssyncset.done @!p2 $0x0;
	v13 =	vadd.s32 v6, v9  }
0xbc: {  	[sflag:s2] =	ssyncadd.s32 @!p2 $0xFFFFA800;
	v8 =	vadd.s32 v1, v8  }
0xbd: {  	v14 =	vor.u32 $0x2, v12;
	v16 =	vld.idx.msk [tilespmem:v12+s16+$0x0], $0xffff  }
0xbe: {  	v15 =	vadd.s32 v2, v9;
	v17 =	vld.idx.msk [tilespmem:v10+s16+$0x0], $0xffff  }
0xbf: {  	v21 =	vadd.s32 v5, v9;
	v19 =	vld.idx.msk [tilespmem:v11+s16+$0x0], $0xffff  }
0xc0: {  	s30 =	simm.s32 $0x8;
	v22 =	vor.u32 $0x4, v12;
	v13 =	vld.idx.msk [tilespmem:v13+s16+$0x0], $0xffff  }
0xc1: {  	s29 =	simm.s32 $0x18;
	v23 =	vmov s30;
	v18 =	vadd.s32 v7, v9;
	v11 =	vld.idx.msk [tilespmem:v8+s16+$0x0], $0xffff  }
0xc2: {  	v20 =	vmov s29;
	v25 =	vshll.u32 v23, $0x3;
	v8 =	vadd.s32 v0, v9;
	v10 =	vld.idx.msk [tilespmem:v14+s16+$0x0], $0xffff  }
0xc3: {  	v26 =	vshll.u32 v20, $0x3;
	v20 =	vand.u32 $0x78, v20;
	v24 =	vor.u32 $0x5, v12;
	v15 =	vld.idx.msk [tilespmem:v15+s16+$0x0], $0xffff  }
0xc4: {  	v27 =	vor.u32 $0x7, v12;
	v14 =	vand.u32 $0x68, v23;
	v23 =	vand.u32 $0x3C00, v26;
	v21 =	vld.idx.msk [tilespmem:v21+s16+$0x0], $0xffff  }
0xc5: {  	v25 =	vand.u32 $0x3C00, v25;
	v9 =	vadd.s32 v1, v9;
	v30 =	vld.idx.msk [tilespmem:v22+s16+$0x0], $0xffff;
	v29 =	vor.u32 v20, v23  }
0xc6: {  	v20 =	vld.idx.msk [tilespmem:v18+s16+$0x0], $0xffff;
	v23 =	vor.u32 v14, v25;
	v14 =	vadd.s32 v2, v29  }
0xc7: {  	v18 =	vadd.s32 v4, v23;
	v25 =	vld.idx.msk [tilespmem:v8+s16+$0x0], $0xffff  }
0xc8: {  	v24 =	vld.idx.msk [tilespmem:v24+s16+$0x0], $0xffff;
	v26 =	vadd.s32 v0, v29  }
0xc9: {  	s23 =	simm.s32 $0x10900;
	v27 =	vld.idx.msk [tilespmem:v27+s16+$0x0], $0xffff;
	v22 =	vadd.s32 v0, v23  }
0xca: {  	v31 =	vadd.s32 v7, v29;
	v28 =	vld.idx.msk [tilespmem:v9+s16+$0x0], $0xffff;
	[tilespmem:s23+$0x10] =	vst v15  }
0xcb: {  	[tilespmem:s23+$0x20] =	vst v19;
	v9 =	vld.idx.msk [tilespmem:v14+s16+$0x0], $0xffff;
	v14 =	vor.u32 $0x1, v12  }
0xcc: {  	v8 =	vld.idx.msk [tilespmem:v18+s16+$0x0], $0xffff;
	[tilespmem:s23+$0x0] =	vst v25;
	v25 =	vadd.s32 v2, v23  }
0xcd: {  	v19 =	vor.u32 $0x6, v12;
	[tilespmem:s23+$0x40] =	vst v17;
	v18 =	vld.idx.msk [tilespmem:v26+s16+$0x0], $0xffff  }
0xce: {  	s31 =	smul.u32 $0xE6C3, s22;
	v17 =	vadd.s32 v1, v29;
	[tilespmem:s23+$0x50] =	vst v21;
	v12 =	vld.idx.msk [tilespmem:v22+s16+$0x0], $0xffff  }
0xcf: {  	v32 =	vadd.s32 v3, v23;
	[tilespmem:s23+$0x60] =	vst v13;
	v22 =	vld.idx.msk [tilespmem:v31+s16+$0x0], $0xffff  }
0xd0: {  	s24 =	sshrl.u32 s31, $0x16;
	v21 =	vadd.s32 v7, v23;
	[tilespmem:s23+$0x30] =	vst v28;
	v28 =	vld.idx.msk [tilespmem:v14+s16+$0x0], $0xffff  }
0xd1: {  	s2 =	smul.u32 $0x47, s24;
	v15 =	vadd.s32 v1, v23;
	[tilespmem:s23+$0x70] =	vst v20;
	v14 =	vld.idx.msk [tilespmem:v25+s16+$0x0], $0xffff;
	v25 =	vadd.s32 v4, v29  }
0xd2: {  	v13 =	vadd.s32 v5, v23;
	v20 =	vadd.s32 v6, v29;
	v26 =	vld.idx.msk [tilespmem:v19+s16+$0x0], $0xffff;
	[tilespmem:s23+$0xFFFFFF00] =	vst v16  }
0xd3: {  	s25 =	simm.s32 $0x0;
	s2 =	ssub.s32 s22, s2;
	v19 =	vadd.s32 v6, v23;
	v17 =	vld.idx.msk [tilespmem:v17+s16+$0x0], $0xffff;
	v23 =	vadd.s32 v3, v29;
	[tilespmem:s23+$0xFFFFFF50] =	vst v24  }
0xd4: {  	s28 =	simm.s32 $0x10B00;
	s26 =	simm.s32 $0x20;
	s22 =	sand.u32 $0xFFFF, s2;
	v24 =	vadd.s32 v5, v29;
	[tilespmem:s23+$0xFFFFFF40] =	vst v30;
	v16 =	vld.idx.msk [tilespmem:v32+s16+$0x0], $0xffff  }
.LBB2_6:
0xd5: {  	v29 =	vmov s26;
	s2 =	sadd.s32 $0x10, s26;
	s29 =	sadd.s32 $0x18, s26;
	s25 =	sadd.s32 $0x4, s25;
	[tilespmem:s23+$0xFFFFFF70] =	vst v27;
	v21 =	vld.idx.msk [tilespmem:v21+s16+$0x0], $0xffff  }
0xd6: {  	v27 =	vand.u32 $0x60, v29;
	v29 =	vshll.u32 v29, $0x3;
	v30 =	vmov s2;
	p1 =	slt.u32 s25, $0xAC;
	[tilespmem:s23+$0xFFFFFF10] =	vst v28;
	v28 =	vld.idx.msk [tilespmem:v25+s16+$0x0], $0xffff  }
0xd7: {  	v25 =	vand.u32 $0x3C00, v29;
	v29 =	vand.u32 $0x70, v30;
	v30 =	vshll.u32 v30, $0x3;
	[tilespmem:s23+$0xFFFFFF30] =	vst v11;
	v11 =	vld.idx.msk [tilespmem:v20+s16+$0x0], $0xffff  }
0xd8: {  	v20 =	vor.u32 v27, v25;
	v25 =	vand.u32 $0x3C00, v30;
	v27 =	vmov s29;
	[tilespmem:s23+$0xFFFFFF60] =	vst v26;
	v23 =	vld.idx.msk [tilespmem:v23+s16+$0x0], $0xffff  }
0xd9: {  	v26 =	vadd.s32 v0, v20;
	v20 =	vadd.s32 v1, v20;
	v25 =	vor.u32 v29, v25;
	v24 =	vld.idx.msk [tilespmem:v24+s16+$0x0], $0xffff  }
0xda: {  	v29 =	vor.u32 $0x1, v26;
	v30 =	vadd.s32 v4, v25;
	v31 =	vadd.s32 v7, v25;
	v19 =	vld.idx.msk [tilespmem:v19+s16+$0x0], $0xffff;
	[tilespmem:s23+$0xF0] =	vst v22  }
0xdb: {  	s2 =	sadd.s32 $0x8, s26;
	v22 =	vor.u32 $0x2, v26;
	v32 =	vadd.s32 v3, v25;
	v33 =	vadd.s32 v6, v25;
	[tilespmem:s23+$0xFFFFFF20] =	vst v10;
	v10 =	vld.idx.msk [tilespmem:v15+s16+$0x0], $0xffff  }
0xdc: {  	v34 =	vor.u32 $0x4, v26;
	v35 =	vadd.s32 v2, v25;
	v15 =	vmov s2;
	[tilespmem:s23+$0x80] =	vst v18  }
0xdd: {  	v37 =	vshll.u32 v27, $0x3;
	v18 =	vor.u32 $0x5, v26;
	v36 =	vshll.u32 v15, $0x3;
	v38 =	vld.idx.msk [tilespmem:v13+s16+$0x0], $0xffff;
	[tilespmem:s23+$0xE0] =	vst v11  }
0xde: {  	v11 =	vand.u32 $0x68, v15;
	v13 =	vand.u32 $0x3C00, v36;
	v36 =	vadd.s32 v5, v25;
	v39 =	vld.idx.msk [tilespmem:v26+s16+$0x0], $0xffff;
	[tilespmem:s23+$0xA0] =	vst v23  }
0xdf: {  	v40 =	vor.u32 $0x7, v26;
	v41 =	vadd.s32 v1, v25;
	v23 =	vor.u32 v11, v13;
	v30 =	vld.idx.msk [tilespmem:v30+s16+$0x0], $0xffff;
	[tilespmem:s23+$0xD0] =	vst v24  }
0xe0: {  	v11 =	vand.u32 $0x78, v27;
	v13 =	vand.u32 $0x3C00, v37;
	v42 =	vadd.s32 v0, v23;
	v32 =	vld.idx.msk [tilespmem:v32+s16+$0x0], $0xffff;
	[tilespmem:s23+$0xFFFFFFE0] =	vst v19  }
0xe1: {  	v37 =	vadd.s32 v2, v23;
	v24 =	vor.u32 v11, v13;
	v33 =	vld.idx.msk [tilespmem:v33+s16+$0x0], $0xffff;
	[tilespmem:s23+$0xFFFFFFB0] =	vst v10  }
0xe2: {  	v26 =	vor.u32 $0x6, v26;
	v43 =	vadd.s32 v3, v23;
	v19 =	vadd.s32 v0, v25;
	v11 =	vld.idx.msk [tilespmem:v20+s16+$0x0], $0xffff;
	[tilespmem:s23+$0xFFFFFF80] =	vst v12  }
0xe3: {  	v15 =	vadd.s32 v1, v23;
	v10 =	vld.idx.msk [tilespmem:v22+s16+$0x0], $0xffff;
	[tilespmem:s23+$0xFFFFFFF0] =	vst v21  }
0xe4: {  	v27 =	vadd.s32 v0, v24;
	v12 =	vadd.s32 v4, v23;
	v22 =	vld.idx.msk [tilespmem:v35+s16+$0x0], $0xffff;
	[tilespmem:s23+$0x90] =	vst v9  }
0xe5: {  	v13 =	vadd.s32 v5, v23;
	v9 =	vadd.s32 v2, v24;
	v31 =	vld.idx.msk [tilespmem:v31+s16+$0x0], $0xffff;
	[tilespmem:s23+$0xB0] =	vst v17  }
0xe6: {  	v20 =	vadd.s32 v6, v24;
	v17 =	vld.idx.msk [tilespmem:v36+s16+$0x0], $0xffff;
	[tilespmem:s23+$0xFFFFFF90] =	vst v14  }
0xe7: {  	v21 =	vadd.s32 v7, v23;
	v35 =	vadd.s32 v1, v24;
	v14 =	vld.idx.msk [tilespmem:v19+s16+$0x0], $0xffff;
	[tilespmem:s23+$0xFFFFFFA0] =	vst v16  }
0xe8: {  	v25 =	vadd.s32 v4, v24;
	v19 =	vadd.s32 v6, v23;
	v16 =	vld.idx.msk [tilespmem:v34+s16+$0x0], $0xffff;
	[tilespmem:s23+$0xC0] =	vst v28  }
0xe9: {  	v23 =	vadd.s32 v3, v24;
	v34 =	vld.idx.msk [tilespmem:v18+s16+$0x0], $0xffff;
	[tilespmem:s23+$0xFFFFFFC0] =	vst v8  }
0xea: {  	v36 =	vadd.s32 v7, v24;
	v28 =	vld.idx.msk [tilespmem:v41+s16+$0x0], $0xffff;
	[tilespmem:s23+$0xFFFFFFD0] =	vst v38;
	s23 =	smov.u32 s28  }
0xeb: {  	v24 =	vadd.s32 v5, v24;
	[tilespmem:s28+$0x10] =	vst v22;
	v9 =	vld.idx.msk [tilespmem:v9+s16+$0x0], $0xffff  }
0xec: {  	v8 =	vld.idx.msk [tilespmem:v12+s16+$0x0], $0xffff;
	[tilespmem:s28+$0x20] =	vst v32  }
0xed: {  	[tilespmem:s28+$0x0] =	vst v14;
	v18 =	vld.idx.msk [tilespmem:v27+s16+$0x0], $0xffff  }
0xee: {  	v12 =	vld.idx.msk [tilespmem:v42+s16+$0x0], $0xffff;
	[tilespmem:s28+$0x40] =	vst v30  }
0xef: {  	v27 =	vld.idx.msk [tilespmem:v40+s16+$0x0], $0xffff;
	[tilespmem:s28+$0x50] =	vst v17  }
0xf0: {  	[tilespmem:s28+$0x30] =	vst v28;
	v22 =	vld.idx.msk [tilespmem:v36+s16+$0x0], $0xffff  }
.Ltmp6:
0xf1: {  	v28 =	vld.idx.msk [tilespmem:v29+s16+$0x0], $0xffff;
	[tilespmem:s28+$0x60] =	vst v33;
	(pc) =	sbr.rel @p1 .LBB2_6-.Ltmp6, $4  }
0xf2: {  	v26 =	vld.idx.msk [tilespmem:v26+s16+$0x0], $0xffff;
	[tilespmem:s28+$0x70] =	vst v31  }
0xf3: {  	[tilespmem:s28+$0xFFFFFF00] =	vst v39;
	v14 =	vld.idx.msk [tilespmem:v37+s16+$0x0], $0xffff  }
0xf4: {  	[tilespmem:s28+$0xFFFFFF50] =	vst v34;
	v17 =	vld.idx.msk [tilespmem:v35+s16+$0x0], $0xffff  }
0xf5: {  	s26 =	sadd.s32 $0x20, s26;
	s28 =	sadd.s32 $0x200, s28;
	[tilespmem:s23+$0xFFFFFF40] =	vst v16;
	v16 =	vld.idx.msk [tilespmem:v43+s16+$0x0], $0xffff  }
0xf6: {  	_ =	sdelay $0x3  }
0xf7: {  	v25 =	vld.idx.msk [tilespmem:v25+s16+$0x0], $0xffff  }
0xf8: {  	[tilespmem:s23+$0xFFFFFF70] =	vst v27;
	v20 =	vld.idx.msk [tilespmem:v20+s16+$0x0], $0xffff  }
0xf9: {  	[tilespmem:s23+$0xFFFFFF10] =	vst v28;
	v59 =	vld.idx.msk [tilespmem:v23+s16+$0x0], $0xffff  }
0xfa: {  	[tilespmem:s23+$0xFFFFFF30] =	vst v11;
	v60 =	vld.idx.msk [tilespmem:v24+s16+$0x0], $0xffff  }
0xfb: {  	[tilespmem:s23+$0xF0] =	vst v22;
	v19 =	vld.idx.msk [tilespmem:v19+s16+$0x0], $0xffff  }
0xfc: {  	[tilespmem:s23+$0xFFFFFF20] =	vst v10;
	v61 =	vld.idx.msk [tilespmem:v15+s16+$0x0], $0xffff  }
0xfd: {  	[tilespmem:s23+$0x80] =	vst v18;
	v62 =	vld.idx.msk [tilespmem:v21+s16+$0x0], $0xffff  }
0xfe: {  	v63 =	vld.idx.msk [tilespmem:v13+s16+$0x0], $0xffff;
	[tilespmem:s23+$0xFFFFFF80] =	vst v12  }
0xff: {  	[tilespmem:s23+$0x90] =	vst v9  }
0x100: {  	[tilespmem:s23+$0xFFFFFFC0] =	vst v8  }
0x101: {  	[tilespmem:s23+$0xFFFFFF60] =	vst v26  }
0x102: {  	[tilespmem:s23+$0xFFFFFF90] =	vst v14  }
0x103: {  	[tilespmem:s23+$0xB0] =	vst v17  }
0x104: {  	[tilespmem:s23+$0xFFFFFFA0] =	vst v16  }
0x105: {  	[tilespmem:s23+$0xE0] =	vst v20  }
0x106: {  	[tilespmem:s23+$0xA0] =	vst v59  }
0x107: {  	s2 =	smul.u32 $0x186A00, s24;
	[tilespmem:s23+$0xD0] =	vst v60  }
0x108: {  	s22 =	smul.u32 $0x5800, s22;
	[tilespmem:s23+$0xFFFFFFE0] =	vst v19  }
.Ltmp7:
0x109: {  	[tilespmem:s23+$0xFFFFFFB0] =	vst v61;
	(pc) =	sbr.rel .LBB2_8-.Ltmp7, $4  }
0x10a: {  	s2 =	sadd.s32 s22, s2;
	[tilespmem:s23+$0xFFFFFFF0] =	vst v62  }
0x10b: {  	s2 =	sshrl.u32 s2, $0x3;
	[tilespmem:s23+$0xC0] =	vst v25  }
0x10c: {  	s2 =	sadd.s32 s5, s2;
	[tilespmem:s23+$0xFFFFFFD0] =	vst v63  }
0x10d: {  	[hbm4b:s2+s3] =	stream.linear.scatter [tilespmem:s17], [sflag:$0x4], $0x5800, $0x38;
	[tilespmem:$0x16200] =	vst v63  }
.LBB2_10:
0x10e: {  	_ =	sfence.sel $0x180000  }
0x10f: {  	[bflag:$0x0] =	sbarrier.arrive $0xFFFF  }
0x110: {  	_ =	strace $0x90000047  }
0x111: {  	[bflag:$0x2] =	sbarrier.arrive $0xFFFF  }
0x112: {  	p0 =	sne.s32 s1, $0x0;
	s0 =	rddreg [dreg:$0x3]  }
0x113: {  	s0 =	sadd.s32 @!p0 $0x100000, s0  }
0x114: {  	[sflag:s0] =	ssyncadd.tile.s32 @!p0 $0x1;
	_ =	shalt  }
.Lfunc_end2:
_tile_overlayer_lowered:
.L_overlay_start_2:
0x115: {  	(tag) =	ssettag $0x2  }
0x116: {  	s0 =	rddreg [dreg:$0x0];
	s2 =	stileid.u32  }
0x117: {  	s1 =	rddreg [dreg:$0x1];
	p0 =	sne.s32 s2, $0x0  }
0x118: {  	s3 =	rddreg [dreg:$0x2];
	[bflag:$0x3] =	sbarrier.arrive $0xFFFF;
	s2 =	simm.s32 @!p0 $0x1C05  }
0x119: {  	[timem:s3], [sflag:s2] =	dma.local @!p0 [hbm:s0], s1  }
0x11a: {  	s0 =	simm.s32 @!p0 $0x5  }
0x11b: {  	_ =	swait.ge @!p0 [sflag:s0], s1  }
0x11c: {  	s1 =	ssub.s32 @!p0 $0x0, s1;
	[sflag:s0] =	ssyncset.done @!p0 $0x0  }
0x11d: {  	[sflag:s0] =	ssyncadd.s32 @!p0 s1  }
0x11e: {  	[bflag:$0x3] =	sbarrier.arrive $0xFFFF  }
0x11f: {  	_ =	shalt  }

// kernel: kernel.8.cloned.1.call-start
scs
__scs_entry_jumppad:
0x0: {  	(pc) =	sbr.rel $0x88, $3  }
0x1: {  	(tag) =	ssettag $0x0;
	lr =	simm.s32 $0x1  }
0x2: {  	[smem:$0x3F94] =	sst lr;
	_ =	strace $0xD0000000  }
0x3: {  	_ = 	snop  }
0x4: {  	_ = 	snop  }
0x5: {  	_ = 	snop  }
0x6: {  	_ = 	snop  }
0x7: {  	_ = 	snop  }
__scs_overlays_trampoline_lowered:
0x8: {  	[smem:$0x3FA3] =	sst s0  }
0x9: {  	[smem:$0x3FA4] =	sst s1  }
0xa: {  	[smem:$0x3FA5] =	sst s2  }
0xb: {  	[smem:$0x3FA6] =	sst s3  }
0xc: {  	[smem:$0x3FA7] =	sst s4  }
0xd: {  	[smem:$0x3FA8] =	sst s5  }
0xe: {  	[smem:$0x3FA9] =	sst s6  }
0xf: {  	[smem:$0x3FAA] =	sst s7  }
0x10: {  	[smem:$0x3FAB] =	sst s8  }
0x11: {  	[smem:$0x3FAC] =	sst s9;
	s0 =	simm.s32 @!p0 $0x0  }
0x12: {  	s1 =	sld [smem:$0x3F92];
	s0 =	simm.s32 @p0 $0x1  }
0x13: {  	[smem:$0x3FAD] =	sst s0;
	s0 =	simm.s32 @!p1 $0x0  }
0x14: {  	s2 =	sld [smem:$0x3F91];
	s0 =	simm.s32 @p1 $0x1  }
0x15: {  	[smem:$0x3FAE] =	sst s0;
	s0 =	simm.s32 @!p2 $0x0  }
0x16: {  	s3 =	sld [smem:$0x3FDB];
	s0 =	simm.s32 @p2 $0x1  }
0x17: {  	s4 =	simm.s32 $0x1BF5;
	[smem:$0x3FB0] =	sst s0  }
0x18: {  	s0 =	sld [smem:$0x3F93];
	_ =	swait.ge [sflag:s4], $0x0  }
0x19: {  	s7 =	sld [smem:$0x3F94]  }
0x1a: {  	s8 =	sadd.s32 $0xFFFFE003, lr  }
0x1b: {  	s9 =	sadd.s32 $0xFFFFFEF7, lr;
	s5 =	simm.s32 $0xFFFFFFFF;
	p2 =	slt.u32 s8, $0xFFFFF086  }
0x1c: {  	p1 =	slt.u32 s9, $0xF7A;
	s5 =	simm.s32 @!p2 $0x0  }
0x1d: {  	s5 =	simm.s32 @p1 $0x1;
	p0 =	seq.s32 s7, s2  }
0x1e: {  	s7 =	smul.u32 @!p0 $0xF7A, s2;
	p2 =	seq.s32 @!p0 s5, $0x0  }
0x1f: {  	s9 =	smul.u32 $0xF7A, s1;
	s8 =	simm.s32 @!p0 $0x1BF5;
	p2 =	por !p2, p0  }
0x20: {  	[sflag:s8] =	ssyncset.s32 @!p0 $0xFFFFF086;
	s6 =	sadd.s32 @!p0 s3, s7;
	s7 =	simm.s32 @!p0 $0x108  }
0x21: {  	s3 =	sadd.s32 s3, s9;
	s6 =	sadd.s32 @!p0 $0x88, s6;
	s7 =	simm.s32 @p2 $0x1082  }
0x22: {  	[simem:s7], [sflag:s8] =	dma.local @!p0 [hbm:s6], $0xF7A  }
0x23: {  	s9 =	sor.u32 $0xD0000000, s2;
	s6 =	simm.s32 $0x108;
	_ =	swait.ge @!p0 [sflag:s8], $0x0  }
0x24: {  	s3 =	sadd.s32 $0x88, s3;
	s6 =	simm.s32 @!p1 $0x1082;
	[sflag:s4] =	ssyncset.s32 $0xFFFFF086  }
0x25: {  	[simem:s6], [sflag:s4] =	dma.local [hbm:s3], $0xF7A  }
0x26: {  	[smem:$0x3F94] =	sst s1;
	(tag) =	ssettag s2;
	_ =	strace s9  }
0x27: {  	s1 =	sld [smem:$0x3FA4]  }
0x28: {  	s2 =	sld [smem:$0x3FA5]  }
0x29: {  	s4 =	sld [smem:$0x3FA7]  }
0x2a: {  	p0 =	seq.s32 s5, $0x0;
	s5 =	sld [smem:$0x3FA8]  }
0x2b: {  	s6 =	sld [smem:$0x3FA9]  }
0x2c: {  	s7 =	sld [smem:$0x3FAA]  }
0x2d: {  	s3 =	simm.s32 $0x108;
	s8 =	sld [smem:$0x3FAB]  }
0x2e: {  	s3 =	simm.s32 @!p0 $0x1082;
	s9 =	sld [smem:$0x3FAC]  }
0x2f: {  	lr =	sadd.s32 s0, s3;
	s0 =	sld [smem:$0x3FA3]  }
0x30: {  	s3 =	sld [smem:$0x3FA6]  }
0x31: {  	[smem:$0x3FAF] =	sst s10  }
0x32: {  	s10 =	sld [smem:$0x3FAD];
	_ =	sdelay $0x3  }
0x33: {  	p0 =	seq.s32 s10, $0x1;
	s10 =	sld [smem:$0x3FAF];
	_ =	sdelay $0x3  }
0x34: {  	[smem:$0x3FAF] =	sst s10  }
0x35: {  	s10 =	sld [smem:$0x3FAE];
	_ =	sdelay $0x3  }
0x36: {  	p1 =	seq.s32 s10, $0x1;
	s10 =	sld [smem:$0x3FAF];
	_ =	sdelay $0x3  }
0x37: {  	[smem:$0x3FAF] =	sst s10  }
0x38: {  	s10 =	sld [smem:$0x3FB0]  }
0x39: {  	_ = 	snop;
	(pc) =	sbr.ind lr, $3  }
0x3a: {  	_ = 	snop  }
0x3b: {  	_ = 	snop  }
0x3c: {  	p2 =	seq.s32 s10, $0x1;
	s10 =	sld [smem:$0x3FAF]  }
0x3d: {  	_ =	shalt  }
0x3e: {  	_ =	shalt  }
0x3f: {  	_ =	shalt  }
0x40: {  	_ =	shalt  }
0x41: {  	_ =	shalt  }
0x42: {  	_ =	shalt  }
0x43: {  	_ =	shalt  }
0x44: {  	_ =	shalt  }
0x45: {  	_ =	shalt  }
0x46: {  	_ =	shalt  }
0x47: {  	_ =	shalt  }
0x48: {  	_ =	shalt  }
0x49: {  	_ =	shalt  }
0x4a: {  	_ =	shalt  }
0x4b: {  	_ =	shalt  }
0x4c: {  	_ =	shalt  }
0x4d: {  	_ =	shalt  }
0x4e: {  	_ =	shalt  }
0x4f: {  	_ =	shalt  }
0x50: {  	_ =	shalt  }
0x51: {  	_ =	shalt  }
0x52: {  	_ =	shalt  }
0x53: {  	_ =	shalt  }
0x54: {  	_ =	shalt  }
0x55: {  	_ =	shalt  }
0x56: {  	_ =	shalt  }
0x57: {  	_ =	shalt  }
0x58: {  	_ =	shalt  }
0x59: {  	_ =	shalt  }
0x5a: {  	_ =	shalt  }
0x5b: {  	_ =	shalt  }
0x5c: {  	_ =	shalt  }
0x5d: {  	_ =	shalt  }
0x5e: {  	_ =	shalt  }
0x5f: {  	_ =	shalt  }
0x60: {  	_ =	shalt  }
0x61: {  	_ =	shalt  }
0x62: {  	_ =	shalt  }
0x63: {  	_ =	shalt  }
0x64: {  	_ =	shalt  }
0x65: {  	_ =	shalt  }
0x66: {  	_ =	shalt  }
0x67: {  	_ =	shalt  }
0x68: {  	_ =	shalt  }
0x69: {  	_ =	shalt  }
0x6a: {  	_ =	shalt  }
0x6b: {  	_ =	shalt  }
0x6c: {  	_ =	shalt  }
0x6d: {  	_ =	shalt  }
0x6e: {  	_ =	shalt  }
0x6f: {  	_ =	shalt  }
0x70: {  	_ =	shalt  }
0x71: {  	_ =	shalt  }
0x72: {  	_ =	shalt  }
0x73: {  	_ =	shalt  }
0x74: {  	_ =	shalt  }
0x75: {  	_ =	shalt  }
0x76: {  	_ =	shalt  }
0x77: {  	_ =	shalt  }
0x78: {  	_ =	shalt  }
0x79: {  	_ =	shalt  }
0x7a: {  	_ =	shalt  }
0x7b: {  	_ =	shalt  }
0x7c: {  	_ =	shalt  }
0x7d: {  	_ =	shalt  }
0x7e: {  	_ =	shalt  }
0x7f: {  	_ =	shalt  }
0x80: {  	_ =	shalt  }
0x81: {  	_ =	shalt  }
0x82: {  	_ =	shalt  }
0x83: {  	_ =	shalt  }
0x84: {  	_ =	shalt  }
0x85: {  	_ =	shalt  }
0x86: {  	_ =	shalt  }
0x87: {  	_ =	shalt  }
.Lfunc_end0:
.L_simem_size_0:
called_computation.1_lowered:
.L_overlay_start_0:
0x88: {  	s2 =	sld [smem:$0x3FD9]  }
0x89: {  	s3 =	sld [smem:$0x3FFE];
	_ =	sdelay $0x1  }
0x8a: {  	s1 =	srdreg.scid  }
0x8b: {  	s0 =	sand.u32 $0x1, s1  }
0x8c: {  	s16 =	sshll.u32 s0, $0xA;
	s2 =	sadd.s32 s3, s2  }
0x8d: {  	s2 =	sadd.s32 s2, s16  }
0x8e: {  	[smem:$0x3FBB] =	sst s2  }
0x8f: {  	_ = 	snop  }
0x90: {  	(tm) =	ssettm $0x1  }
0x91: {  	s17 =	sld [smem:$0x3FFB];
	_ =	sdelay $0x3  }
0x92: {  	_ =	strace s17  }
0x93: {  	s2 =	sld [smem:$0x3FFC];
	_ =	sdelay $0x3  }
0x94: {  	_ =	strace s2  }
0x95: {  	s2 =	sld [smem:$0x3FFD];
	_ =	sdelay $0x3  }
0x96: {  	_ =	strace s2  }
0x97: {  	_ =	strace $0x8FFFFFFF  }
0x98: {  	s18 =	sld [smem:$0x3FDB];
	_ =	sdelay $0x1  }
0x99: {  	s19 =	simm.s32 $_scs_section_size  }
0x9a: {  	s4 =	simm.s32 $_size__tile_overlayer_lowered;
	s5 =	simm.s32 $_tile_overlayer_lowered  }
0x9b: {  	s22 =	simm.s32 $0x1BFF;
	s21 =	sshll.u32 s5, $0x1;
	s2 =	sadd.s32 s19, s18  }
0x9c: {  	s6 =	simm.s32 $0x0;
	s20 =	sshll.u32 s4, $0x1;
	s4 =	sadd.s32 s21, s2  }
0x9d: {  	[timem:s6], [sflag:s22] =	dma.local [hbm:s4], s20  }
0x9e: {  	_ =	swait.ge [sflag:s22], s20  }
0x9f: {  	s3 =	ssub.s32 $0x0, s20;
	[sflag:s22] =	ssyncset.done $0x0  }
0xa0: {  	[sflag:s22] =	ssyncadd.s32 s3;
	_ =	sdelay $0x1  }
0xa1: {  	s23 =	simm.s32 $0x1B8B  }
0xa2: {  	_ =	swait.ge [sflag:s23], $0x1  }
0xa3: {  	[sflag:s23] =	ssyncset.done $0x0  }
0xa4: {  	s25 =	simm.s32 $0x1B8E;
	s24 =	sld [smem:$0x3FFE];
	[sflag:s23] =	ssyncadd.s32 $0xFFFFFFFF  }
0xa5: {  	s26 =	simm.s32 $execute0_lowered;
	[smem:$0x3FD2] =	sst s25  }
0xa6: {  	s4 =	sshll.u32 s26, $0x1;
	_ =	strace $0x80000049;
	[dreg:$0x1] =	wrdreg $0xFFFFFFFF  }
0xa7: {  	s28 =	simm.s32 $_size_execute0_lowered;
	s2 =	sadd.s32 s2, s4;
	[dreg:$0x0] =	wrdreg $0x0  }
0xa8: {  	s4 =	sshll.u32 s28, $0x1;
	[dreg:$0x2] =	wrdreg s2  }
0xa9: {  	[dreg:$0x3] =	wrdreg s4  }
0xaa: {  	[dreg:$0x4] =	wrdreg $0xC0  }
0xab: {  	_ =	task [dreg:s6], $0x5FFFF  }
0xac: {  	[dreg:$0x1] =	wrdreg $0xFFFFFFFF  }
0xad: {  	[dreg:$0x0] =	wrdreg $0x60  }
0xae: {  	[dreg:$0x2] =	wrdreg s24  }
0xaf: {  	[dreg:$0x3] =	wrdreg $0x9  }
0xb0: {  	_ =	task.clear_ibuf [dreg:s6], $0x4FFFF;
	_ =	strace $0x90000049  }
0xb1: {  	s29 =	simm.s32 $0x9;
	_ =	strace $0x8000004B  }
0xb2: {  	_ =	swait.ge [sflag:s29], $0x1  }
0xb3: {  	[sflag:s29] =	ssyncadd.s32 $0xFFFFFFFF  }
0xb4: {  	_ =	strace $0x9000004B  }
0xb5: {  	_ =	sfence  }
0xb6: {  	s30 =	sld [smem:$0x0];
	_ =	sdelay $0x2  }
0xb7: {  	s31 =	sshll.u32 s1, $0xD;
	s1 =	sshrl.u32 s1, $0x2  }
0xb8: {  	s3 =	sand.u32 $0x4000, s31;
	s1 =	sadd.s32 s1, s30  }
0xb9: {  	s0 =	sor.u32 s3, s0;
	s1 =	sshll.u32 s1, $0x11  }
0xba: {  	s0 =	sor.u32 s1, s0  }
0xbb: {  	s0 =	sadd.s32 $0x8F2B, s0  }
0xbc: {  	[sflag:s0] =	ssyncadd.remote.s32 $0x1  }
0xbd: {  	_ =	sfence.sel $0xFFFF  }
0xbe: {  	[dreg:$0x0] =	wrdreg $0xFFFFFFFF;
	(pc) =	sbr.abs _section_cstart, $3  }
0xbf: {  	[dreg:$0x1] =	wrdreg $0xFFFFFFFF  }
0xc0: {  	_ =	task.clear_ibuf [dreg:s6], $0x2FFFF;
	_ =	strace $0x9FFFFFFF  }
0xc1: {  	(tm) =	ssettm $0x7FFFFFFF  }
tec
execute0_lowered:
.L_overlay_start_1:
0x0: {  	(tag) =	ssettag $0x1  }
0x1: {  	s4 =	rddreg [dreg:$0x0]  }
0x2: {  	s3 =	srdreg.scid;
	s1 =	stileid.u32;
	s2 =	simm.s32 $0x0  }
0x3: {  	s11 =	simm.s32 $0xD00;
	s12 =	simm.s32 $0x3400;
	s13 =	simm.s32 $0x10400  }
0x4: {  	s14 =	simm.s32 $0x1;
	s15 =	simm.s32 $0x3;
	s16 =	simm.s32 $0x1A00  }
0x5: {  	s17 =	simm.s32 $0x2;
	s5 =	sand.u32 $0x1, s3;
	s31 =	sshll.u32 s1, $0x1  }
0x6: {  	s18 =	simm.s32 $0x4;
	s19 =	simm.s32 $0x2700;
	s6 =	sor.u32 s5, s31  }
0x7: {  	s20 =	simm.s32 $0x0;
	[smem:$0x7FF] =	sst s2;
	s7 =	smul.u32 $0x680, s6  }
0x8: {  	s3 =	sadd.s32 $0x1E00, s4;
	s5 =	ssub.s32 $0x2, s5;
	s8 =	smul.u32 $0x34000, s6  }
0x9: {  	s10 =	sadd.s32 $0x504800, s4;
	s9 =	sshrl.u32 s5, $0x1;
	s6 =	smul.u32 $0x6800, s6  }
0xa: {  	_ =	strace $0x8000004A;
	s9 =	ssub.s32 s5, s9;
	s7 =	sadd.s32 s7, s4  }
0xb: {  	s8 =	sshrl.u32 s8, $0x3;
	s5 =	sadd.s32 s10, s6;
	s9 =	smax.u32 s9, $0x1  }
0xc: {  	s4 =	sadd.s32 $0x4F7800, s7;
	s8 =	sadd.s32 s10, s8;
	s10 =	simm.s32 $0x5  }
0xd: {  	v0 =	vlaneseq.u32;
	s6 =	sadd.s32 $0x1A00, s8;
	s7 =	sadd.s32 $0x3400, s8;
	s8 =	sadd.s32 $0x4E00, s8  }
.LBB2_1:
0xe: {  	[tilespmem:s2], [sflag:$0x5] =	stream.linear.gather [hbm4b:s4+s2], $0x3400, $0x38;
	[tilespmem:$0x1D400] =	vst v63  }
0xf: {  	s21 =	smul.u32 $0x4EC5, s2;
	s22 =	sand.u32 $0xFFFF, s2  }
0x10: {  	s26 =	simm.s32 $0x40;
	s22 =	smul.u32 $0x4EC5, s22  }
0x11: {  	_ =	swait.ge [sflag:s10], $0x3400;
	s28 =	smul.u32 $0x4EC5, s26;
	s23 =	sadd.s32 $0xEC4F0, s21  }
0x12: {  	s31 =	sand.u32 $0xFFFF, s26;
	s24 =	sadd.s32 $0x4EC50, s21;
	s23 =	sshrl.u32 s23, $0x13  }
0x13: {  	s21 =	sadd.s32 $0x9D8A0, s21;
	[sflag:s10] =	ssyncset.done $0x0;
	s23 =	smul.u32 $0x1A, s23  }
0x14: {  	s24 =	sshrl.u32 s24, $0x13;
	s21 =	sshrl.u32 s21, $0x13;
	s22 =	sshrl.u32 s22, $0x13  }
0x15: {  	s0 =	sadd.s32 $0xEC4F0, s28;
	s24 =	smul.u32 $0x1A, s24;
	s23 =	ssub.s32 $0x0, s23  }
0x16: {  	s29 =	sadd.s32 $0x4EC50, s28;
	s25 =	smul.u32 $0x1A, s21;
	s23 =	sadd.s32 $0x30, s23  }
0x17: {  	s22 =	smul.u32 $0x1A, s22;
	s26 =	sshrl.u32 s0, $0x13;
	s23 =	sand.u32 $0xFFFF, s23  }
0x18: {  	s28 =	sadd.s32 $0x9D8A0, s28;
	s29 =	sshrl.u32 s29, $0x13;
	s26 =	smul.u32 $0x1A, s26;
	v1 =	vadd.s32 s23, v0  }
0x19: {  	[sflag:s10] =	ssyncadd.s32 $0xFFFFCC00;
	s28 =	sshrl.u32 s28, $0x13;
	s29 =	smul.u32 $0x1A, s29;
	v2 =	vmulhi.u32 $0x9D89D8A, v1  }
0x1a: {  	s21 =	simm.s32 $0x20;
	s28 =	smul.u32 $0x1A, s28;
	s24 =	ssub.s32 $0x0, s24  }
0x1b: {  	v7 =	vld [tilespmem:s21+$0x10];
	s25 =	ssub.s32 $0x0, s25;
	s22 =	ssub.s32 $0x0, s22;
	s24 =	sadd.s32 $0x10, s24;
	v2 =	vmul.u32 $0x1A, v2  }
0x1c: {  	s25 =	sadd.s32 $0x20, s25;
	s24 =	sand.u32 $0xFFFF, s24;
	s23 =	smul.u32 $0x4EC5, s31  }
0x1d: {  	s22 =	sand.u32 $0xFFFF, s22;
	s28 =	ssub.s32 $0x40, s28;
	s30 =	sand.u32 $0xFFFF, s25;
	v4 =	vadd.s32 s24, v0;
	v1 =	vsub.s32 v1, v2  }
0x1e: {  	s28 =	sadd.s32 $0x20, s28;
	s31 =	ssub.s32 $0x40, s26;
	v6 =	vadd.s32 s30, v0;
	v9 =	vmulhi.u32 $0x9D89D8A, v4;
	s23 =	sshrl.u32 s23, $0x13;
	v2 =	vmul.u32 $0x186A0, v1  }
0x1f: {  	v3 =	vld [tilespmem:s21+$0xFFFFFFF0];
	v5 =	vadd.s32 s22, v0;
	s30 =	ssub.s32 $0x40, s29;
	s31 =	sadd.s32 $0x30, s31;
	v10 =	vmulhi.u32 $0x9D89D8A, v6;
	s0 =	smul.u32 $0x1A, s23  }
0x20: {  	v8 =	vmulhi.u32 $0x9D89D8A, v5;
	s24 =	simm.s32 $0x80;
	s25 =	sadd.s32 $0x10, s30;
	s22 =	sand.u32 $0xFFFF, s31;
	v1 =	vld [tilespmem:s21+$0xFFFFFFE0];
	v7 =	vadd.s32 v2, v7  }
0x21: {  	s23 =	simm.s32 $0x4;
	v9 =	vmul.u32 $0x1A, v9;
	v10 =	vmul.u32 $0x1A, v10;
	s26 =	ssub.s32 $0x40, s0;
	v2 =	vld [tilespmem:s21+$0x0];
	[tilespmem:s21+$0x10] =	vst v7;
	v7 =	vadd.s32 s22, v0;
	s22 =	simm.s32 $0x20  }
.LBB2_2:
0x22: {  	s29 =	sand.u32 $0xFFFF, s24;
	s30 =	smul.u32 $0x4EC5, s24;
	s23 =	sadd.s32 $0x4, s23  }
0x23: {  	v11 =	vmulhi.u32 $0x9D89D8A, v7;
	v8 =	vmul.u32 $0x1A, v8;
	v4 =	vsub.s32 v4, v9;
	s21 =	sadd.s32 $0x40, s21;
	s29 =	smul.u32 $0x4EC5, s29;
	p0 =	slt.u32 s23, $0x33C  }
0x24: {  	v4 =	vmul.u32 $0x186A0, v4;
	v6 =	vsub.s32 v6, v10;
	s31 =	sadd.s32 $0x4EC50, s30;
	s0 =	sadd.s32 $0x9D8A0, s30;
	s30 =	sadd.s32 $0xEC4F0, s30  }
0x25: {  	v9 =	vmul.u32 $0x1A, v11;
	v10 =	vld [tilespmem:s21+$0x10];
	v5 =	vsub.s32 v5, v8;
	v6 =	vmul.u32 $0x186A0, v6;
	s30 =	sshrl.u32 s30, $0x13  }
0x26: {  	s31 =	sshrl.u32 s31, $0x13;
	s0 =	sshrl.u32 s0, $0x13;
	v11 =	vld [tilespmem:s21+$0xFFFFFFE0];
	v5 =	vmul.u32 $0x186A0, v5;
	v4 =	vadd.s32 v4, v3;
	s30 =	smul.u32 $0x1A, s30  }
0x27: {  	s25 =	sand.u32 $0xFFFF, s25;
	s29 =	sshrl.u32 s29, $0x13;
	v3 =	vld [tilespmem:s21+$0xFFFFFFF0];
	v7 =	vsub.s32 v7, v9;
	[tilespmem:s22+$0xFFFFFFF0] =	vst v4;
	v6 =	vadd.s32 v6, v2;
	s31 =	smul.u32 $0x1A, s31  }
.Ltmp0:
0x28: {  	s26 =	sand.u32 $0xFFFF, s26;
	v4 =	vadd.s32 s25, v0;
	s25 =	sand.u32 $0xFFFF, s28;
	v2 =	vld [tilespmem:s21+$0x0];
	v7 =	vmul.u32 $0x186A0, v7;
	v1 =	vadd.s32 v5, v1;
	[tilespmem:s22+$0x0] =	vst v6;
	(pc) =	sbr.rel @p0 .LBB2_2-.Ltmp0, $4  }
0x29: {  	s0 =	smul.u32 $0x1A, s0;
	v5 =	vadd.s32 s26, v0;
	v9 =	vmulhi.u32 $0x9D89D8A, v4;
	v6 =	vadd.s32 s25, v0;
	s28 =	ssub.s32 s24, s30;
	[tilespmem:s22+$0xFFFFFFE0] =	vst v1;
	s22 =	smov.u32 s21  }
0x2a: {  	s26 =	smul.u32 $0x1A, s29;
	s25 =	ssub.s32 s24, s31;
	v12 =	vmulhi.u32 $0x9D89D8A, v6;
	s28 =	sadd.s32 $0x30, s28;
	v7 =	vadd.s32 v7, v10  }
0x2b: {  	s0 =	ssub.s32 s24, s0;
	v8 =	vmulhi.u32 $0x9D89D8A, v5;
	s25 =	sadd.s32 $0x10, s25;
	v9 =	vmul.u32 $0x1A, v9;
	s29 =	sand.u32 $0xFFFF, s28;
	[tilespmem:s21+$0x10] =	vst v7;
	v1 =	vmov v11  }
0x2c: {  	s26 =	ssub.s32 s24, s26;
	s24 =	sadd.s32 $0x40, s24;
	s28 =	sadd.s32 $0x20, s0;
	v10 =	vmul.u32 $0x1A, v12;
	v7 =	vadd.s32 s29, v0  }
0x2d: {  	v11 =	vmulhi.u32 $0x9D89D8A, v7;
	v4 =	vsub.s32 v4, v9;
	s0 =	sand.u32 $0xFFFF, s25  }
0x2e: {  	v8 =	vmul.u32 $0x1A, v8;
	s31 =	sand.u32 $0xFFFF, s28;
	v4 =	vmul.u32 $0x186A0, v4;
	v56 =	vadd.s32 s0, v0  }
0x2f: {  	s23 =	sand.u32 $0xFFFF, s26;
	v6 =	vsub.s32 v6, v10;
	v58 =	vadd.s32 s31, v0;
	v57 =	vmulhi.u32 $0x9D89D8A, v56  }
0x30: {  	s21 =	sadd.s32 $0x40, s21;
	v59 =	vadd.s32 s23, v0;
	v55 =	vmul.u32 $0x1A, v11;
	v13 =	vmulhi.u32 $0x9D89D8A, v58  }
0x31: {  	v12 =	vld [tilespmem:s21+$0x10];
	v5 =	vsub.s32 v5, v8;
	v6 =	vmul.u32 $0x186A0, v6;
	v61 =	vmulhi.u32 $0x9D89D8A, v59  }
0x32: {  	v14 =	vld [tilespmem:s21+$0xFFFFFFF0];
	v3 =	vadd.s32 v4, v3;
	v5 =	vmul.u32 $0x186A0, v5;
	v10 =	vmul.u32 $0x1A, v57  }
0x33: {  	v62 =	vld [tilespmem:s21+$0x0];
	v60 =	vsub.s32 v7, v55;
	v2 =	vadd.s32 v6, v2;
	v13 =	vmul.u32 $0x1A, v13  }
0x34: {  	v63 =	vld [tilespmem:s21+$0xFFFFFFE0];
	[tilespmem:s22+$0xFFFFFFF0] =	vst v3;
	v9 =	vmul.u32 $0x1A, v61;
	v7 =	vmul.u32 $0x186A0, v60;
	v3 =	vsub.s32 v56, v10  }
0x35: {  	v1 =	vadd.s32 v5, v1;
	[tilespmem:s22+$0x0] =	vst v2;
	v2 =	vmul.u32 $0x186A0, v3;
	v3 =	vsub.s32 v58, v13  }
0x36: {  	[tilespmem:s22+$0xFFFFFFE0] =	vst v1;
	v4 =	vsub.s32 v59, v9;
	v1 =	vadd.s32 v7, v12;
	v3 =	vmul.u32 $0x186A0, v3  }
0x37: {  	[tilespmem:s21+$0x10] =	vst v1;
	v1 =	vmul.u32 $0x186A0, v4;
	v2 =	vadd.s32 v2, v14  }
0x38: {  	[tilespmem:s21+$0xFFFFFFF0] =	vst v2;
	v2 =	vadd.s32 v3, v62  }
0x39: {  	v1 =	vadd.s32 v1, v63;
	[tilespmem:s21+$0x0] =	vst v2  }
0x3a: {  	[tilespmem:s21+$0xFFFFFFE0] =	vst v1  }
0x3b: {  	[tilespmem:s12], [sflag:$0x1] =	stream.indirect.gather [hbm4b:s3+s11], $0x10, s2, s11, $0xb8;
	[tilespmem:$0x1D400] =	vst v63  }
0x3c: {  	_ = 	snop  }
0x3d: {  	[tilespmem:s13], [sflag:$0x2] =	stream.indirect.gather [hbm4b:s3+s11], $0x10, s11, s11, $0xb8;
	[tilespmem:$0x1D400] =	vst v63  }
0x3e: {  	_ =	swait.ge [sflag:s14], $0xD000  }
0x3f: {  	[sflag:s14] =	ssyncset.done $0x0  }
0x40: {  	[sflag:s14] =	ssyncadd.s32 $0xFFFF3000  }
0x41: {  	[hbm4b:s5+s2] =	stream.linear.scatter [tilespmem:s12], [sflag:$0x3], $0xD000, $0x38;
	[tilespmem:$0x1D400] =	vst v63  }
0x42: {  	_ =	swait.ge [sflag:s15], $0xD000  }
0x43: {  	[sflag:s15] =	ssyncset.done $0x0  }
0x44: {  	[sflag:s15] =	ssyncadd.s32 $0xFFFF3000  }
0x45: {  	[tilespmem:s12], [sflag:$0x1] =	stream.indirect.gather [hbm4b:s3+s11], $0x10, s16, s11, $0xb8;
	[tilespmem:$0x1D400] =	vst v63  }
0x46: {  	_ =	swait.ge [sflag:s17], $0xD000  }
0x47: {  	[sflag:s17] =	ssyncset.done $0x0  }
0x48: {  	[sflag:s17] =	ssyncadd.s32 $0xFFFF3000  }
0x49: {  	[hbm4b:s6+s2] =	stream.linear.scatter [tilespmem:s13], [sflag:$0x4], $0xD000, $0x38;
	[tilespmem:$0x1D400] =	vst v63  }
0x4a: {  	_ =	swait.ge [sflag:s18], $0xD000  }
0x4b: {  	[sflag:s18] =	ssyncset.done $0x0  }
0x4c: {  	[sflag:s18] =	ssyncadd.s32 $0xFFFF3000  }
0x4d: {  	[tilespmem:s13], [sflag:$0x2] =	stream.indirect.gather [hbm4b:s3+s11], $0x10, s19, s11, $0xb8;
	[tilespmem:$0x1D400] =	vst v63  }
0x4e: {  	_ =	swait.ge [sflag:s14], $0xD000  }
0x4f: {  	[sflag:s14] =	ssyncset.done $0x0  }
0x50: {  	[sflag:s14] =	ssyncadd.s32 $0xFFFF3000  }
0x51: {  	[hbm4b:s7+s2] =	stream.linear.scatter [tilespmem:s12], [sflag:$0x3], $0xD000, $0x38;
	[tilespmem:$0x1D400] =	vst v63  }
0x52: {  	_ =	swait.ge [sflag:s17], $0xD000  }
0x53: {  	[sflag:s17] =	ssyncset.done $0x0  }
0x54: {  	s20 =	sadd.s32 $0x1, s20;
	[sflag:s17] =	ssyncadd.s32 $0xFFFF3000  }
0x55: {  	[hbm4b:s8+s2] =	stream.linear.scatter [tilespmem:s13], [sflag:$0x4], $0xD000, $0x38;
	[tilespmem:$0x1D400] =	vst v63  }
0x56: {  	p0 =	sne.s32 s20, s9;
	_ =	swait.ge [sflag:s15], $0xD000  }
.Ltmp1:
0x57: {  	[sflag:s15] =	ssyncset.done $0x0;
	(pc) =	sbr.rel @p0 .LBB2_1-.Ltmp1, $4  }
0x58: {  	[sflag:s15] =	ssyncadd.s32 $0xFFFF3000  }
0x59: {  	_ =	swait.ge [sflag:s18], $0xD000  }
0x5a: {  	[sflag:s18] =	ssyncset.done $0x0  }
0x5b: {  	[sflag:s18] =	ssyncadd.s32 $0xFFFF3000  }
0x5c: {  	_ =	sfence.sel $0x180000  }
0x5d: {  	[bflag:$0x0] =	sbarrier.arrive $0xFFFF  }
0x5e: {  	_ =	strace $0x9000004A  }
0x5f: {  	[bflag:$0x2] =	sbarrier.arrive $0xFFFF  }
0x60: {  	p0 =	sne.s32 s1, $0x0;
	s0 =	rddreg [dreg:$0x1]  }
0x61: {  	s0 =	sadd.s32 @!p0 $0x100000, s0  }
0x62: {  	[sflag:s0] =	ssyncadd.tile.s32 @!p0 $0x1;
	_ =	shalt  }
.Lfunc_end2:
_tile_overlayer_lowered:
.L_overlay_start_2:
0x63: {  	(tag) =	ssettag $0x2  }
0x64: {  	s0 =	rddreg [dreg:$0x0];
	s2 =	stileid.u32  }
0x65: {  	s1 =	rddreg [dreg:$0x1];
	p0 =	sne.s32 s2, $0x0  }
0x66: {  	s3 =	rddreg [dreg:$0x2];
	[bflag:$0x3] =	sbarrier.arrive $0xFFFF;
	s2 =	simm.s32 @!p0 $0x1C05  }
0x67: {  	[timem:s3], [sflag:s2] =	dma.local @!p0 [hbm:s0], s1  }
0x68: {  	s0 =	simm.s32 @!p0 $0x5  }
0x69: {  	_ =	swait.ge @!p0 [sflag:s0], s1  }
0x6a: {  	s1 =	ssub.s32 @!p0 $0x0, s1;
	[sflag:s0] =	ssyncset.done @!p0 $0x0  }
0x6b: {  	[sflag:s0] =	ssyncadd.s32 @!p0 s1  }
0x6c: {  	[bflag:$0x3] =	sbarrier.arrive $0xFFFF  }
0x6d: {  	_ =	shalt  }

</sc_bundles>
